<compile_context>
chip_gen: v7x
topology: tpu7x:2x2x1
jax: 0.10.2.dev20260603
libtpu: 0.0.44.dev20260713+nightly
codegen_flags: <defaults>
</compile_context>

<pallas_src>
import jax
import jax.numpy as jnp
from jax import lax
from jax.experimental import pallas as pl
from jax.experimental.pallas import tpu as pltpu
from jax.experimental.pallas import tpu_sc as plsc

IMAGE_SIZE = 128
K = 8
ZNEAR = 0.01
INF = float("inf")
NP = 5120
ROWS_PER_WORKER = IMAGE_SIZE // 8
NPIX = ROWS_PER_WORKER * IMAGE_SIZE


def _transform(pts, M, eps=1e-6):
    ones = jnp.ones(pts.shape[:-1] + (1,), pts.dtype)
    p = jnp.concatenate([pts, ones], axis=-1)
    out = jnp.matmul(p.astype(jnp.bfloat16), M.astype(jnp.bfloat16),
                     preferred_element_type=jnp.float32)
    w = out[..., 3:4]
    w = jnp.where(jnp.abs(w) < eps, jnp.where(w >= 0, eps, -eps), w)
    return out[..., :3] / w


def _iota16():
    return lax.broadcasted_iota(jnp.int32, (16,), 0)


def _bcast(s, dtype=None):
    v = jnp.broadcast_to(s, (16,))
    return v.astype(dtype) if dtype is not None else v


def _sc_kernel(px_hbm, py_hbm, pz_hbm, r_hbm, idx_hbm, z_hbm, d_hbm,
               tpx, tpy, tpz, tr, cx0, cnx, cr0, cy1,
               cpx, cpy, cr2, ckey, p0, p1, p2, p3, p4, p5, p6, p7,
               sidx, sz, sd, sem):
    planes = (p0, p1, p2, p3, p4, p5, p6, p7)
    wid = lax.axis_index("s") * 2 + lax.axis_index("c")
    b = wid >> 3
    res = wid & 7
    it = _iota16()
    itf = it.astype(jnp.float32)

    cins = [pltpu.async_copy(px_hbm.at[b], tpx, sem),
            pltpu.async_copy(py_hbm.at[b], tpy, sem),
            pltpu.async_copy(pz_hbm.at[b], tpz, sem),
            pltpu.async_copy(r_hbm.at[b], tr, sem)]
    for c in cins:
        c.wait()

    def filt(i, cnt):
        s = pl.ds(i * 16, 16)
        pxv = tpx[s]
        pyv = tpy[s]
        pzv = tpz[s]
        rv = tr[s]
        pxc = jnp.clip(pxv, -16.0, 16.0)
        pyc = jnp.clip(pyv, -16.0, 16.0)
        y0 = ((pyc - rv + 1.0) * 64.0 + 1023.5).astype(jnp.int32) - 1024
        y1 = ((pyc + rv + 1.0) * 64.0 + 1023.5).astype(jnp.int32) - 1024
        y0c = jnp.clip(y0, 0, 127)
        y1c = jnp.clip(y1, 0, 127)
        r0 = y0c + ((_bcast(res) - y0c) & 7)
        m = (r0 <= y1c) & (pzv > ZNEAR)
        pos = cnt + jnp.cumsum(m.astype(jnp.int32)) - 1
        x0 = ((pxc - rv + 1.0) * 64.0 + 1023.5).astype(jnp.int32) - 1024
        x1 = ((pxc + rv + 1.0) * 64.0 + 1023.5).astype(jnp.int32) - 1024
        x0c = jnp.clip(x0, 0, 127)
        nx = jnp.clip(x1, 0, 127) - x0c + 1
        key = lax.bitcast_convert_type(
            jnp.bitwise_or(
                jnp.bitwise_and(lax.bitcast_convert_type(pzv, jnp.int32),
                                jnp.int32(-8192)), i * 16 + it), jnp.float32)
        plsc.store_scatter(cx0, [pos], x0c, mask=m)
        plsc.store_scatter(cnx, [pos], nx, mask=m)
        plsc.store_scatter(cr0, [pos], r0, mask=m)
        plsc.store_scatter(cy1, [pos], y1c, mask=m)
        plsc.store_scatter(cpx, [pos], pxv, mask=m)
        plsc.store_scatter(cpy, [pos], pyv, mask=m)
        plsc.store_scatter(cr2, [pos], rv * rv, mask=m)
        plsc.store_scatter(ckey, [pos], key, mask=m)
        return cnt + jnp.sum(m.astype(jnp.int32))

    cnt = lax.fori_loop(0, NP // 16, filt, jnp.int32(0))

    def init(i, _):
        s = pl.ds(i * 16, 16)
        full = jnp.full((16,), INF, jnp.float32)
        for p in planes:
            p[s] = full
        return 0

    lax.fori_loop(0, NPIX // 16, init, 0)

    def insert(i, _):
        s = pl.ds(i, 16)
        x0 = cx0[s][0]
        nx = cnx[s][0]
        r0 = cr0[s][0]
        y1 = cy1[s][0]
        pxs = _bcast(cpx[s][0])
        pys = _bcast(cpy[s][0])
        r2s = _bcast(cr2[s][0])
        keys = _bcast(ckey[s][0])
        lanemask = it < _bcast(nx)
        addrx = jnp.minimum(_bcast(x0) + it, 127)
        xcv = (_bcast(x0).astype(jnp.float32) + itf + 0.5) * (1.0 / 64.0) - 1.0
        dxv = xcv - pxs
        dx2 = dxv * dxv
        trips = jnp.maximum(((y1 - r0) >> 3) + 1, 0)

        def row(t, _):
            ry = r0 + t * 8
            base = (ry >> 3) * IMAGE_SIZE
            ycv = _bcast(ry).astype(jnp.float32) * (1.0 / 64.0) + (0.5 / 64.0 - 1.0)
            dyv = ycv - pys
            d2 = dx2 + dyv * dyv
            inserting = (d2 < r2s) & lanemask
            newkey = jnp.where(inserting, keys, INF)
            addr = _bcast(base) + addrx
            curs = [plsc.load_gather(p, [addr]) for p in planes]
            prev = None
            for k, p in enumerate(planes):
                nv = jnp.minimum(curs[k], newkey)
                if k:
                    nv = jnp.maximum(curs[k - 1], nv)
                plsc.store_scatter(p, [addr], nv, mask=inserting)
            return 0

        lax.fori_loop(0, trips, row, 0)
        return 0

    lax.fori_loop(0, cnt, insert, 0)

    def outrow(prow, _):
        ry = prow * 8 + res
        ycv = _bcast(ry).astype(jnp.float32) * (1.0 / 64.0) + (0.5 / 64.0 - 1.0)

        def chunk(c, _):
            xb = c * 16
            start = prow * IMAGE_SIZE + xb
            xv = _bcast(xb) + it
            xcv = xv.astype(jnp.float32) * (1.0 / 64.0) + (0.5 / 64.0 - 1.0)
            for k, p in enumerate(planes):
                keyv = p[pl.ds(start, 16)]
                valid = keyv < INF
                kb = lax.bitcast_convert_type(keyv, jnp.int32)
                idxv = jnp.bitwise_and(kb, jnp.int32(8191))
                zv = lax.bitcast_convert_type(
                    jnp.bitwise_and(kb, jnp.int32(-8192)), jnp.float32)
                gpx = plsc.load_gather(tpx, [idxv])
                gpy = plsc.load_gather(tpy, [idxv])
                dxv = xcv - gpx
                dyv = ycv - gpy
                d2 = dxv * dxv + dyv * dyv
                kvec = jnp.full((16,), k, jnp.int32)
                plsc.store_scatter(sidx, [xv, kvec],
                                   jnp.where(valid, idxv, -1))
                plsc.store_scatter(sz, [xv, kvec],
                                   jnp.where(valid, zv, -1.0))
                plsc.store_scatter(sd, [xv, kvec],
                                   jnp.where(valid, d2, -1.0))
            return 0

        lax.fori_loop(0, IMAGE_SIZE // 16, chunk, 0)
        couts = [pltpu.async_copy(sidx, idx_hbm.at[b, ry], sem),
                 pltpu.async_copy(sz, z_hbm.at[b, ry], sem),
                 pltpu.async_copy(sd, d_hbm.at[b, ry], sem)]
        for c in couts:
            c.wait()
        return 0

    lax.fori_loop(0, ROWS_PER_WORKER, outrow, 0)


def kernel(points, radii, world_to_view, proj):
    B, N, _ = points.shape
    S = IMAGE_SIZE
    pts_view = _transform(points, world_to_view)
    pts_screen = _transform(pts_view, proj)
    px = pts_screen[..., 0]
    py = pts_screen[..., 1]
    pz = pts_view[..., 2]

    pad = NP - N
    px = jnp.pad(px, ((0, 0), (0, pad)))
    py = jnp.pad(py, ((0, 0), (0, pad)))
    pz = jnp.pad(pz, ((0, 0), (0, pad)))
    r = jnp.pad(radii, ((0, 0), (0, pad)))

    mesh = plsc.VectorSubcoreMesh(core_axis_name="c", subcore_axis_name="s")
    f = pl.kernel(
        _sc_kernel,
        out_type=[
            jax.ShapeDtypeStruct((B, S, S, K), jnp.int32),
            jax.ShapeDtypeStruct((B, S, S, K), jnp.float32),
            jax.ShapeDtypeStruct((B, S, S, K), jnp.float32),
        ],
        mesh=mesh,
        compiler_params=pltpu.CompilerParams(needs_layout_passes=False),
        scratch_types=(
            [pltpu.VMEM((NP,), jnp.float32)] * 4
            + [pltpu.VMEM((NP + 16,), jnp.int32)] * 4
            + [pltpu.VMEM((NP + 16,), jnp.float32)] * 4
            + [pltpu.VMEM((NPIX,), jnp.float32)] * K
            + [pltpu.VMEM((S, K), jnp.int32),
               pltpu.VMEM((S, K), jnp.float32),
               pltpu.VMEM((S, K), jnp.float32),
               pltpu.SemaphoreType.DMA]
        ),
    )
    return tuple(f(px, py, pz, r))

# --- scband reference (transcript-rebuilt; emitter-appended) ---
"""Pipeline reference for scband-spheres-rasterizer-76828374991352 (READ-ONLY COPY).

The authoritative reference and input builder live on the scoring server;
editing this copy changes nothing except your own understanding.
"""

import jax, jax.numpy as jnp
import numpy as np

IMAGE_SIZE = 128
POINTS_PER_PIXEL = 8
ZNEAR = 0.01


def _transform_points(pts, M, eps=1e-6):
    ones = jnp.ones(pts.shape[:-1] + (1,), pts.dtype)
    p = jnp.concatenate([pts, ones], axis=-1)
    out = p @ M
    w = out[..., 3:4]
    w = jnp.where(jnp.abs(w) < eps, jnp.where(w >= 0, eps, -eps), w)
    return out[..., :3] / w


def _rasterize(pts_screen, radii):
    B, N, _ = pts_screen.shape
    S = IMAGE_SIZE
    K = POINTS_PER_PIXEL
    px = pts_screen[..., 0]
    py = pts_screen[..., 1]
    pz = pts_screen[..., 2]
    r2 = radii * radii
    xs = (jnp.arange(S, dtype=jnp.float32) + 0.5) / S * 2.0 - 1.0

    def row_fn(y_ndc):
        dx = xs[None, :, None] - px[:, None, :]
        dy = y_ndc - py[:, None, :]
        dist2 = dx * dx + dy * dy
        inside = (dist2 < r2[:, None, :]) & (pz[:, None, :] > ZNEAR)
        zmask = jnp.where(inside, pz[:, None, :], jnp.inf)
        neg_top, idx = jax.lax.top_k(-zmask, K)
        zbuf = -neg_top
        valid = jnp.isfinite(zbuf)
        d_sel = jnp.take_along_axis(dist2, idx, axis=-1)
        idx_out = jnp.where(valid, idx, -1)
        zbuf_out = jnp.where(valid, zbuf, -1.0)
        d_out = jnp.where(valid, d_sel, -1.0)
        return idx_out, zbuf_out, d_out

    ys = (jnp.arange(S, dtype=jnp.float32) + 0.5) / S * 2.0 - 1.0
    idx, zbuf, dists = jax.lax.map(row_fn, ys)
    idx = jnp.transpose(idx, (1, 0, 2, 3))
    zbuf = jnp.transpose(zbuf, (1, 0, 2, 3))
    dists = jnp.transpose(dists, (1, 0, 2, 3))
    return idx, zbuf, dists


def setup_inputs(seed: int = 0):
    key = jax.random.key(seed)
    k1, k2, k3 = jax.random.split(key, 3)
    B, N = 4, 5000
    xy = jax.random.uniform(k1, (B, N, 2), minval=-2.0, maxval=2.0)
    z = jax.random.uniform(k2, (B, N, 1), minval=2.0, maxval=8.0)
    points = jnp.concatenate([xy, z], axis=-1).astype(jnp.float32)
    radii = jax.random.uniform(k3, (B, N), minval=0.01, maxval=0.06).astype(jnp.float32)
    world_to_view = jnp.broadcast_to(jnp.eye(4, dtype=jnp.float32), (B, 4, 4))
    proj_m = jnp.array([[1.0, 0.0, 0.0, 0.0],
                        [0.0, 1.0, 0.0, 0.0],
                        [0.0, 0.0, 1.0, 1.0],
                        [0.0, 0.0, 0.0, 0.0]], dtype=jnp.float32)
    proj = jnp.broadcast_to(proj_m, (B, 4, 4))
    return {"points": points, "radii": radii, "world_to_view": world_to_view, "proj": proj}


def reference(points, radii, world_to_view, proj):
    # transform(): world -> view -> screen, keeping view-space z as depth
    pts_view = _transform_points(points, world_to_view)
    pts_screen = _transform_points(pts_view, proj)
    pts_screen = pts_screen.at[..., 2].set(pts_view[..., 2])
    # rasterize_spheres(): per-pixel K nearest-in-depth spheres within radius
    idx, zbuf, dists = _rasterize(pts_screen, radii)
    return idx, zbuf, dists

if __name__ == "__main__":
    import jax
    _d = setup_inputs()
    print(jax.jit(kernel)(*tuple(_d.values())))

</pallas_src>

<mosaic_0001>
#map = affine_map<(d0, d1) -> (0, 0)>
#map1 = affine_map<(d0, d1) -> (0, 0, 0, 0)>
module attributes {stable_mosaic.version = 14 : i64} {
  func.func @_sc_kernel(%arg0: i32, %arg1: i32, %arg2: memref<4x5120xf32, #tpu.memory_space<hbm>>, %arg3: memref<4x5120xf32, #tpu.memory_space<hbm>>, %arg4: memref<4x5120xf32, #tpu.memory_space<hbm>>, %arg5: memref<4x5120xf32, #tpu.memory_space<hbm>>, %arg6: memref<4x128x128x8xi32, #tpu.memory_space<hbm>>, %arg7: memref<4x128x128x8xf32, #tpu.memory_space<hbm>>, %arg8: memref<4x128x128x8xf32, #tpu.memory_space<hbm>>, %arg9: memref<5120xf32, #tpu.memory_space<vmem>>, %arg10: memref<5120xf32, #tpu.memory_space<vmem>>, %arg11: memref<5120xf32, #tpu.memory_space<vmem>>, %arg12: memref<5120xf32, #tpu.memory_space<vmem>>, %arg13: memref<5136xi32, #tpu.memory_space<vmem>>, %arg14: memref<5136xi32, #tpu.memory_space<vmem>>, %arg15: memref<5136xi32, #tpu.memory_space<vmem>>, %arg16: memref<5136xi32, #tpu.memory_space<vmem>>, %arg17: memref<5136xf32, #tpu.memory_space<vmem>>, %arg18: memref<5136xf32, #tpu.memory_space<vmem>>, %arg19: memref<5136xf32, #tpu.memory_space<vmem>>, %arg20: memref<5136xf32, #tpu.memory_space<vmem>>, %arg21: memref<2048xf32, #tpu.memory_space<vmem>>, %arg22: memref<2048xf32, #tpu.memory_space<vmem>>, %arg23: memref<2048xf32, #tpu.memory_space<vmem>>, %arg24: memref<2048xf32, #tpu.memory_space<vmem>>, %arg25: memref<2048xf32, #tpu.memory_space<vmem>>, %arg26: memref<2048xf32, #tpu.memory_space<vmem>>, %arg27: memref<2048xf32, #tpu.memory_space<vmem>>, %arg28: memref<2048xf32, #tpu.memory_space<vmem>>, %arg29: memref<128x8xi32, #tpu.memory_space<vmem>>, %arg30: memref<128x8xf32, #tpu.memory_space<vmem>>, %arg31: memref<128x8xf32, #tpu.memory_space<vmem>>, %arg32: memref<!tpu.dma_semaphore, #tpu.memory_space<semaphore_mem>>) attributes {dimension_semantics = [#tpu.dimension_semantics<core_parallel>, #tpu.dimension_semantics<subcore_parallel>], iteration_bounds = array<i64: 2, 16>, scalar_prefetch = 0 : i64, scratch_operands = 24 : i64, tpu.core_type = #tpu.core_type<sc_vector_subcore>, window_params = [{transform_indices = #map}, {transform_indices = #map}, {transform_indices = #map}, {transform_indices = #map}, {transform_indices = #map1}, {transform_indices = #map1}, {transform_indices = #map1}]} {
    %mul3A = arith.constant 2 : i32
    %mul3A_0 = arith.muli %arg1, %mul3A : i32
    %add3A = arith.addi %mul3A_0, %arg0 : i32
    %shift_right_arithmetic3A = arith.constant 3 : i32
    %shift_right_arithmetic3A_1 = arith.shrsi %add3A, %shift_right_arithmetic3A : i32
    %and3A = arith.constant 7 : i32
    %and3A_2 = arith.andi %add3A, %and3A : i32
    %iota3A = tpu.iota {dimensions = array<i32: 0>} : vector<16xi32>
    %convert_element_type3A = arith.sitofp %iota3A : vector<16xi32> to vector<16xf32>
    %dma_start3A = arith.constant 0 : i32
    %dma_start3A_3 = tpu.memref_slice %arg2[%shift_right_arithmetic3A_1, %dma_start3A] : memref<4x5120xf32, #tpu.memory_space<hbm>> -> memref<1x5120xf32, #tpu.memory_space<hbm>>
    %dma_start3A_4 = tpu.memref_squeeze %dma_start3A_3 : memref<1x5120xf32, #tpu.memory_space<hbm>> -> memref<5120xf32, #tpu.memory_space<hbm>>
    %dma_start3A_5 = arith.constant 0 : i32
    %dma_start3A_6 = tpu.memref_slice %arg2[%shift_right_arithmetic3A_1, %dma_start3A_5] : memref<4x5120xf32, #tpu.memory_space<hbm>> -> memref<1x5120xf32, #tpu.memory_space<hbm>>
    %dma_start3A_7 = tpu.memref_squeeze %dma_start3A_6 : memref<1x5120xf32, #tpu.memory_space<hbm>> -> memref<5120xf32, #tpu.memory_space<hbm>>
    tpu.enqueue_dma source(%dma_start3A_7 : memref<5120xf32, #tpu.memory_space<hbm>>) target(%arg9 : memref<5120xf32, #tpu.memory_space<vmem>>) target_semaphore(%arg32 : memref<!tpu.dma_semaphore, #tpu.memory_space<semaphore_mem>>)
    %dma_start3A_8 = arith.constant 0 : i32
    %dma_start3A_9 = tpu.memref_slice %arg3[%shift_right_arithmetic3A_1, %dma_start3A_8] : memref<4x5120xf32, #tpu.memory_space<hbm>> -> memref<1x5120xf32, #tpu.memory_space<hbm>>
    %dma_start3A_10 = tpu.memref_squeeze %dma_start3A_9 : memref<1x5120xf32, #tpu.memory_space<hbm>> -> memref<5120xf32, #tpu.memory_space<hbm>>
    %dma_start3A_11 = arith.constant 0 : i32
    %dma_start3A_12 = tpu.memref_slice %arg3[%shift_right_arithmetic3A_1, %dma_start3A_11] : memref<4x5120xf32, #tpu.memory_space<hbm>> -> memref<1x5120xf32, #tpu.memory_space<hbm>>
    %dma_start3A_13 = tpu.memref_squeeze %dma_start3A_12 : memref<1x5120xf32, #tpu.memory_space<hbm>> -> memref<5120xf32, #tpu.memory_space<hbm>>
    tpu.enqueue_dma source(%dma_start3A_13 : memref<5120xf32, #tpu.memory_space<hbm>>) target(%arg10 : memref<5120xf32, #tpu.memory_space<vmem>>) target_semaphore(%arg32 : memref<!tpu.dma_semaphore, #tpu.memory_space<semaphore_mem>>)
    %dma_start3A_14 = arith.constant 0 : i32
    %dma_start3A_15 = tpu.memref_slice %arg4[%shift_right_arithmetic3A_1, %dma_start3A_14] : memref<4x5120xf32, #tpu.memory_space<hbm>> -> memref<1x5120xf32, #tpu.memory_space<hbm>>
    %dma_start3A_16 = tpu.memref_squeeze %dma_start3A_15 : memref<1x5120xf32, #tpu.memory_space<hbm>> -> memref<5120xf32, #tpu.memory_space<hbm>>
    %dma_start3A_17 = arith.constant 0 : i32
    %dma_start3A_18 = tpu.memref_slice %arg4[%shift_right_arithmetic3A_1, %dma_start3A_17] : memref<4x5120xf32, #tpu.memory_space<hbm>> -> memref<1x5120xf32, #tpu.memory_space<hbm>>
    %dma_start3A_19 = tpu.memref_squeeze %dma_start3A_18 : memref<1x5120xf32, #tpu.memory_space<hbm>> -> memref<5120xf32, #tpu.memory_space<hbm>>
    tpu.enqueue_dma source(%dma_start3A_19 : memref<5120xf32, #tpu.memory_space<hbm>>) target(%arg11 : memref<5120xf32, #tpu.memory_space<vmem>>) target_semaphore(%arg32 : memref<!tpu.dma_semaphore, #tpu.memory_space<semaphore_mem>>)
    %dma_start3A_20 = arith.constant 0 : i32
    %dma_start3A_21 = tpu.memref_slice %arg5[%shift_right_arithmetic3A_1, %dma_start3A_20] : memref<4x5120xf32, #tpu.memory_space<hbm>> -> memref<1x5120xf32, #tpu.memory_space<hbm>>
    %dma_start3A_22 = tpu.memref_squeeze %dma_start3A_21 : memref<1x5120xf32, #tpu.memory_space<hbm>> -> memref<5120xf32, #tpu.memory_space<hbm>>
    %dma_start3A_23 = arith.constant 0 : i32
    %dma_start3A_24 = tpu.memref_slice %arg5[%shift_right_arithmetic3A_1, %dma_start3A_23] : memref<4x5120xf32, #tpu.memory_space<hbm>> -> memref<1x5120xf32, #tpu.memory_space<hbm>>
    %dma_start3A_25 = tpu.memref_squeeze %dma_start3A_24 : memref<1x5120xf32, #tpu.memory_space<hbm>> -> memref<5120xf32, #tpu.memory_space<hbm>>
    tpu.enqueue_dma source(%dma_start3A_25 : memref<5120xf32, #tpu.memory_space<hbm>>) target(%arg12 : memref<5120xf32, #tpu.memory_space<vmem>>) target_semaphore(%arg32 : memref<!tpu.dma_semaphore, #tpu.memory_space<semaphore_mem>>)
    %dma_wait3A = arith.constant 0 : i32
    %dma_wait3A_26 = tpu.memref_slice %arg2[%shift_right_arithmetic3A_1, %dma_wait3A] : memref<4x5120xf32, #tpu.memory_space<hbm>> -> memref<1x5120xf32, #tpu.memory_space<hbm>>
    %dma_wait3A_27 = tpu.memref_squeeze %dma_wait3A_26 : memref<1x5120xf32, #tpu.memory_space<hbm>> -> memref<5120xf32, #tpu.memory_space<hbm>>
    %dma_wait3A_28 = arith.constant 0 : i32
    %dma_wait3A_29 = tpu.memref_slice %arg2[%shift_right_arithmetic3A_1, %dma_wait3A_28] : memref<4x5120xf32, #tpu.memory_space<hbm>> -> memref<1x5120xf32, #tpu.memory_space<hbm>>
    %dma_wait3A_30 = tpu.memref_squeeze %dma_wait3A_29 : memref<1x5120xf32, #tpu.memory_space<hbm>> -> memref<5120xf32, #tpu.memory_space<hbm>>
    tpu.wait_dma2 semaphore(%arg32 : memref<!tpu.dma_semaphore, #tpu.memory_space<semaphore_mem>>) src(%dma_wait3A_30 : memref<5120xf32, #tpu.memory_space<hbm>>) dst(%arg9 : memref<5120xf32, #tpu.memory_space<vmem>>)
    %dma_wait3A_31 = arith.constant 0 : i32
    %dma_wait3A_32 = tpu.memref_slice %arg3[%shift_right_arithmetic3A_1, %dma_wait3A_31] : memref<4x5120xf32, #tpu.memory_space<hbm>> -> memref<1x5120xf32, #tpu.memory_space<hbm>>
    %dma_wait3A_33 = tpu.memref_squeeze %dma_wait3A_32 : memref<1x5120xf32, #tpu.memory_space<hbm>> -> memref<5120xf32, #tpu.memory_space<hbm>>
    %dma_wait3A_34 = arith.constant 0 : i32
    %dma_wait3A_35 = tpu.memref_slice %arg3[%shift_right_arithmetic3A_1, %dma_wait3A_34] : memref<4x5120xf32, #tpu.memory_space<hbm>> -> memref<1x5120xf32, #tpu.memory_space<hbm>>
    %dma_wait3A_36 = tpu.memref_squeeze %dma_wait3A_35 : memref<1x5120xf32, #tpu.memory_space<hbm>> -> memref<5120xf32, #tpu.memory_space<hbm>>
    tpu.wait_dma2 semaphore(%arg32 : memref<!tpu.dma_semaphore, #tpu.memory_space<semaphore_mem>>) src(%dma_wait3A_36 : memref<5120xf32, #tpu.memory_space<hbm>>) dst(%arg10 : memref<5120xf32, #tpu.memory_space<vmem>>)
    %dma_wait3A_37 = arith.constant 0 : i32
    %dma_wait3A_38 = tpu.memref_slice %arg4[%shift_right_arithmetic3A_1, %dma_wait3A_37] : memref<4x5120xf32, #tpu.memory_space<hbm>> -> memref<1x5120xf32, #tpu.memory_space<hbm>>
    %dma_wait3A_39 = tpu.memref_squeeze %dma_wait3A_38 : memref<1x5120xf32, #tpu.memory_space<hbm>> -> memref<5120xf32, #tpu.memory_space<hbm>>
    %dma_wait3A_40 = arith.constant 0 : i32
    %dma_wait3A_41 = tpu.memref_slice %arg4[%shift_right_arithmetic3A_1, %dma_wait3A_40] : memref<4x5120xf32, #tpu.memory_space<hbm>> -> memref<1x5120xf32, #tpu.memory_space<hbm>>
    %dma_wait3A_42 = tpu.memref_squeeze %dma_wait3A_41 : memref<1x5120xf32, #tpu.memory_space<hbm>> -> memref<5120xf32, #tpu.memory_space<hbm>>
    tpu.wait_dma2 semaphore(%arg32 : memref<!tpu.dma_semaphore, #tpu.memory_space<semaphore_mem>>) src(%dma_wait3A_42 : memref<5120xf32, #tpu.memory_space<hbm>>) dst(%arg11 : memref<5120xf32, #tpu.memory_space<vmem>>)
    %dma_wait3A_43 = arith.constant 0 : i32
    %dma_wait3A_44 = tpu.memref_slice %arg5[%shift_right_arithmetic3A_1, %dma_wait3A_43] : memref<4x5120xf32, #tpu.memory_space<hbm>> -> memref<1x5120xf32, #tpu.memory_space<hbm>>
    %dma_wait3A_45 = tpu.memref_squeeze %dma_wait3A_44 : memref<1x5120xf32, #tpu.memory_space<hbm>> -> memref<5120xf32, #tpu.memory_space<hbm>>
    %dma_wait3A_46 = arith.constant 0 : i32
    %dma_wait3A_47 = tpu.memref_slice %arg5[%shift_right_arithmetic3A_1, %dma_wait3A_46] : memref<4x5120xf32, #tpu.memory_space<hbm>> -> memref<1x5120xf32, #tpu.memory_space<hbm>>
    %dma_wait3A_48 = tpu.memref_squeeze %dma_wait3A_47 : memref<1x5120xf32, #tpu.memory_space<hbm>> -> memref<5120xf32, #tpu.memory_space<hbm>>
    tpu.wait_dma2 semaphore(%arg32 : memref<!tpu.dma_semaphore, #tpu.memory_space<semaphore_mem>>) src(%dma_wait3A_48 : memref<5120xf32, #tpu.memory_space<hbm>>) dst(%arg12 : memref<5120xf32, #tpu.memory_space<vmem>>)
    %scan3A = arith.constant 0 : i32
    %scan3A_49 = arith.constant 0 : i32
    %scan3A_50 = arith.constant 320 : i32
    %scan3A_51 = arith.addi %scan3A_49, %scan3A_50 : i32
    %scan3A_52 = arith.constant 1 : i32
    %scan3A_53 = scf.for %scan3A_80 = %scan3A_49 to %scan3A_51 step %scan3A_52 iter_args(%scan3A_81 = %scan3A) -> (i32)  : i32 {
      %mul3A_82 = arith.constant 16 : i32
      %mul3A_83 = arith.muli %scan3A_80, %mul3A_82 : i32
      %get3A = arith.index_cast %mul3A_83 : i32 to index
      %get3A_84 = tpu.vector_load %arg9[%get3A] {strides = array<i32>} : memref<5120xf32, #tpu.memory_space<vmem>>, vector<16xf32>,
      %get3A_85 = arith.index_cast %mul3A_83 : i32 to index
      %get3A_86 = tpu.vector_load %arg10[%get3A_85] {strides = array<i32>} : memref<5120xf32, #tpu.memory_space<vmem>>, vector<16xf32>,
      %get3A_87 = arith.index_cast %mul3A_83 : i32 to index
      %get3A_88 = tpu.vector_load %arg11[%get3A_87] {strides = array<i32>} : memref<5120xf32, #tpu.memory_space<vmem>>, vector<16xf32>,
      %get3A_89 = arith.index_cast %mul3A_83 : i32 to index
      %get3A_90 = tpu.vector_load %arg12[%get3A_89] {strides = array<i32>} : memref<5120xf32, #tpu.memory_space<vmem>>, vector<16xf32>,
      %jit3A = arith.constant -1.600000e+01 : f32
      %jit3A_91 = arith.constant 1.600000e+01 : f32
      %max3A = vector.broadcast %jit3A : f32 to vector<16xf32>
      %max3A_92 = arith.maximumf %max3A, %get3A_84 : vector<16xf32>
      %min3A = vector.broadcast %jit3A_91 : f32 to vector<16xf32>
      %min3A_93 = arith.minimumf %min3A, %max3A_92 : vector<16xf32>
      %jit3A_94 = arith.constant -1.600000e+01 : f32
      %jit3A_95 = arith.constant 1.600000e+01 : f32
      %max3A_96 = vector.broadcast %jit3A_94 : f32 to vector<16xf32>
      %max3A_97 = arith.maximumf %max3A_96, %get3A_86 : vector<16xf32>
      %min3A_98 = vector.broadcast %jit3A_95 : f32 to vector<16xf32>
      %min3A_99 = arith.minimumf %min3A_98, %max3A_97 : vector<16xf32>
      %sub3A = arith.subf %min3A_99, %get3A_90 : vector<16xf32>
      %add3A_100 = arith.constant 1.000000e+00 : f32
      %add3A_101 = vector.broadcast %add3A_100 : f32 to vector<16xf32>
      %add3A_102 = arith.addf %sub3A, %add3A_101 : vector<16xf32>
      %mul3A_103 = arith.constant 6.400000e+01 : f32
      %mul3A_104 = vector.broadcast %mul3A_103 : f32 to vector<16xf32>
      %mul3A_105 = arith.mulf %add3A_102, %mul3A_104 : vector<16xf32>
      %add3A_106 = arith.constant 1.023500e+03 : f32
      %add3A_107 = vector.broadcast %add3A_106 : f32 to vector<16xf32>
      %add3A_108 = arith.addf %mul3A_105, %add3A_107 : vector<16xf32>
      %convert_element_type3A_109 = arith.fptosi %add3A_108 : vector<16xf32> to vector<16xi32>
      %sub3A_110 = arith.constant 1024 : i32
      %sub3A_111 = vector.broadcast %sub3A_110 : i32 to vector<16xi32>
      %sub3A_112 = arith.subi %convert_element_type3A_109, %sub3A_111 : vector<16xi32>
      %add3A_113 = arith.addf %min3A_99, %get3A_90 : vector<16xf32>
      %add3A_114 = arith.constant 1.000000e+00 : f32
      %add3A_115 = vector.broadcast %add3A_114 : f32 to vector<16xf32>
      %add3A_116 = arith.addf %add3A_113, %add3A_115 : vector<16xf32>
      %mul3A_117 = arith.constant 6.400000e+01 : f32
      %mul3A_118 = vector.broadcast %mul3A_117 : f32 to vector<16xf32>
      %mul3A_119 = arith.mulf %add3A_116, %mul3A_118 : vector<16xf32>
      %add3A_120 = arith.constant 1.023500e+03 : f32
      %add3A_121 = vector.broadcast %add3A_120 : f32 to vector<16xf32>
      %add3A_122 = arith.addf %mul3A_119, %add3A_121 : vector<16xf32>
      %convert_element_type3A_123 = arith.fptosi %add3A_122 : vector<16xf32> to vector<16xi32>
      %sub3A_124 = arith.constant 1024 : i32
      %sub3A_125 = vector.broadcast %sub3A_124 : i32 to vector<16xi32>
      %sub3A_126 = arith.subi %convert_element_type3A_123, %sub3A_125 : vector<16xi32>
      %jit3A_127 = arith.constant 0 : i32
      %jit3A_128 = arith.constant 127 : i32
      %max3A_129 = vector.broadcast %jit3A_127 : i32 to vector<16xi32>
      %max3A_130 = arith.maxsi %max3A_129, %sub3A_112 : vector<16xi32>
      %min3A_131 = vector.broadcast %jit3A_128 : i32 to vector<16xi32>
      %min3A_132 = arith.minsi %min3A_131, %max3A_130 : vector<16xi32>
      %jit3A_133 = arith.constant 0 : i32
      %jit3A_134 = arith.constant 127 : i32
      %max3A_135 = vector.broadcast %jit3A_133 : i32 to vector<16xi32>
      %max3A_136 = arith.maxsi %max3A_135, %sub3A_126 : vector<16xi32>
      %min3A_137 = vector.broadcast %jit3A_134 : i32 to vector<16xi32>
      %min3A_138 = arith.minsi %min3A_137, %max3A_136 : vector<16xi32>
      %broadcast_in_dim3A = vector.broadcast %and3A_2 : i32 to vector<16xi32>
      %sub3A_139 = arith.subi %broadcast_in_dim3A, %min3A_132 : vector<16xi32>
      %and3A_140 = arith.constant 7 : i32
      %and3A_141 = vector.broadcast %and3A_140 : i32 to vector<16xi32>
      %and3A_142 = arith.andi %sub3A_139, %and3A_141 : vector<16xi32>
      %add3A_143 = arith.addi %min3A_132, %and3A_142 : vector<16xi32>
      %le3A = arith.cmpi sle, %add3A_143, %min3A_138 : vector<16xi32>
      %gt3A = arith.constant 0.00999999977 : f32
      %gt3A_144 = vector.broadcast %gt3A : f32 to vector<16xf32>
      %gt3A_145 = arith.cmpf ogt, %get3A_88, %gt3A_144 : vector<16xf32>
      %and3A_146 = arith.andi %le3A, %gt3A_145 : vector<16xi1>
      %convert_element_type3A_147 = arith.extui %and3A_146 : vector<16xi1> to vector<16xi32>
      %cumsum3A = arith.constant true
      %cumsum3A_148 = vector.broadcast %cumsum3A : i1 to vector<16xi1>
      %cumsum3A_149 = tpu.scan <sum>, %convert_element_type3A_147 masked %cumsum3A_148 : vector<16xi32>, vector<16xi1> -> vector<16xi32>
      %add3A_150 = vector.broadcast %scan3A_81 : i32 to vector<16xi32>
      %add3A_151 = arith.addi %add3A_150, %cumsum3A_149 : vector<16xi32>
      %sub3A_152 = arith.constant 1 : i32
      %sub3A_153 = vector.broadcast %sub3A_152 : i32 to vector<16xi32>
      %sub3A_154 = arith.subi %add3A_151, %sub3A_153 : vector<16xi32>
      %sub3A_155 = arith.subf %min3A_93, %get3A_90 : vector<16xf32>
      %add3A_156 = arith.constant 1.000000e+00 : f32
      %add3A_157 = vector.broadcast %add3A_156 : f32 to vector<16xf32>
      %add3A_158 = arith.addf %sub3A_155, %add3A_157 : vector<16xf32>
      %mul3A_159 = arith.constant 6.400000e+01 : f32
      %mul3A_160 = vector.broadcast %mul3A_159 : f32 to vector<16xf32>
      %mul3A_161 = arith.mulf %add3A_158, %mul3A_160 : vector<16xf32>
      %add3A_162 = arith.constant 1.023500e+03 : f32
      %add3A_163 = vector.broadcast %add3A_162 : f32 to vector<16xf32>
      %add3A_164 = arith.addf %mul3A_161, %add3A_163 : vector<16xf32>
      %convert_element_type3A_165 = arith.fptosi %add3A_164 : vector<16xf32> to vector<16xi32>
      %sub3A_166 = arith.constant 1024 : i32
      %sub3A_167 = vector.broadcast %sub3A_166 : i32 to vector<16xi32>
      %sub3A_168 = arith.subi %convert_element_type3A_165, %sub3A_167 : vector<16xi32>
      %add3A_169 = arith.addf %min3A_93, %get3A_90 : vector<16xf32>
      %add3A_170 = arith.constant 1.000000e+00 : f32
      %add3A_171 = vector.broadcast %add3A_170 : f32 to vector<16xf32>
      %add3A_172 = arith.addf %add3A_169, %add3A_171 : vector<16xf32>
      %mul3A_173 = arith.constant 6.400000e+01 : f32
      %mul3A_174 = vector.broadcast %mul3A_173 : f32 to vector<16xf32>
      %mul3A_175 = arith.mulf %add3A_172, %mul3A_174 : vector<16xf32>
      %add3A_176 = arith.constant 1.023500e+03 : f32
      %add3A_177 = vector.broadcast %add3A_176 : f32 to vector<16xf32>
      %add3A_178 = arith.addf %mul3A_175, %add3A_177 : vector<16xf32>
      %convert_element_type3A_179 = arith.fptosi %add3A_178 : vector<16xf32> to vector<16xi32>
      %sub3A_180 = arith.constant 1024 : i32
      %sub3A_181 = vector.broadcast %sub3A_180 : i32 to vector<16xi32>
      %sub3A_182 = arith.subi %convert_element_type3A_179, %sub3A_181 : vector<16xi32>
      %jit3A_183 = arith.constant 0 : i32
      %jit3A_184 = arith.constant 127 : i32
      %max3A_185 = vector.broadcast %jit3A_183 : i32 to vector<16xi32>
      %max3A_186 = arith.maxsi %max3A_185, %sub3A_168 : vector<16xi32>
      %min3A_187 = vector.broadcast %jit3A_184 : i32 to vector<16xi32>
      %min3A_188 = arith.minsi %min3A_187, %max3A_186 : vector<16xi32>
      %jit3A_189 = arith.constant 0 : i32
      %jit3A_190 = arith.constant 127 : i32
      %max3A_191 = vector.broadcast %jit3A_189 : i32 to vector<16xi32>
      %max3A_192 = arith.maxsi %max3A_191, %sub3A_182 : vector<16xi32>
      %min3A_193 = vector.broadcast %jit3A_190 : i32 to vector<16xi32>
      %min3A_194 = arith.minsi %min3A_193, %max3A_192 : vector<16xi32>
      %sub3A_195 = arith.subi %min3A_194, %min3A_188 : vector<16xi32>
      %add3A_196 = arith.constant 1 : i32
      %add3A_197 = vector.broadcast %add3A_196 : i32 to vector<16xi32>
      %add3A_198 = arith.addi %sub3A_195, %add3A_197 : vector<16xi32>
      %bitcast_convert_type3A = tpu.bitcast %get3A_88 : vector<16xf32> -> vector<16xi32>
      %and3A_199 = arith.constant -8192 : i32
      %and3A_200 = vector.broadcast %and3A_199 : i32 to vector<16xi32>
      %and3A_201 = arith.andi %bitcast_convert_type3A, %and3A_200 : vector<16xi32>
      %mul3A_202 = arith.constant 16 : i32
      %mul3A_203 = arith.muli %scan3A_80, %mul3A_202 : i32
      %add3A_204 = vector.broadcast %mul3A_203 : i32 to vector<16xi32>
      %add3A_205 = arith.addi %add3A_204, %iota3A : vector<16xi32>
      %or3A = arith.ori %and3A_201, %add3A_205 : vector<16xi32>
      %bitcast_convert_type3A_206 = tpu.bitcast %or3A : vector<16xi32> -> vector<16xf32>
      tpu.vector_store_idx %arg13[%sub3A_154], %min3A_188 masked %and3A_146 : memref<5136xi32, #tpu.memory_space<vmem>>[vector<16xi32>], vector<16xi32>, vector<16xi1>
      tpu.vector_store_idx %arg14[%sub3A_154], %add3A_198 masked %and3A_146 : memref<5136xi32, #tpu.memory_space<vmem>>[vector<16xi32>], vector<16xi32>, vector<16xi1>
      tpu.vector_store_idx %arg15[%sub3A_154], %add3A_143 masked %and3A_146 : memref<5136xi32, #tpu.memory_space<vmem>>[vector<16xi32>], vector<16xi32>, vector<16xi1>
      tpu.vector_store_idx %arg16[%sub3A_154], %min3A_138 masked %and3A_146 : memref<5136xi32, #tpu.memory_space<vmem>>[vector<16xi32>], vector<16xi32>, vector<16xi1>
      tpu.vector_store_idx %arg17[%sub3A_154], %get3A_84 masked %and3A_146 : memref<5136xf32, #tpu.memory_space<vmem>>[vector<16xi32>], vector<16xf32>, vector<16xi1>
      tpu.vector_store_idx %arg18[%sub3A_154], %get3A_86 masked %and3A_146 : memref<5136xf32, #tpu.memory_space<vmem>>[vector<16xi32>], vector<16xf32>, vector<16xi1>
      %mul3A_207 = arith.mulf %get3A_90, %get3A_90 : vector<16xf32>
      tpu.vector_store_idx %arg19[%sub3A_154], %mul3A_207 masked %and3A_146 : memref<5136xf32, #tpu.memory_space<vmem>>[vector<16xi32>], vector<16xf32>, vector<16xi1>
      tpu.vector_store_idx %arg20[%sub3A_154], %bitcast_convert_type3A_206 masked %and3A_146 : memref<5136xf32, #tpu.memory_space<vmem>>[vector<16xi32>], vector<16xf32>, vector<16xi1>
      %convert_element_type3A_208 = arith.extui %and3A_146 : vector<16xi1> to vector<16xi32>
      %reduce_sum3A = arith.constant true
      %reduce_sum3A_209 = vector.broadcast %reduce_sum3A : i1 to vector<16xi1>
      %reduce_sum3A_210 = tpu.scan <sum>, %convert_element_type3A_208 masked %reduce_sum3A_209 : vector<16xi32>, vector<16xi1> -> vector<16xi32>
      %reduce_sum3A_211 = vector.extract %reduce_sum3A_210[15] : i32 from vector<16xi32>
      %add3A_212 = arith.addi %scan3A_81, %reduce_sum3A_211 : i32
      scf.yield %add3A_212 : i32
    }
    %scan3A_54 = arith.constant 320 : i32
    %scan3A_55 = arith.constant 0 : i32
    %scan3A_56 = arith.constant 0 : i32
    %scan3A_57 = arith.constant 128 : i32
    %scan3A_58 = arith.addi %scan3A_56, %scan3A_57 : i32
    %scan3A_59 = arith.constant 1 : i32
    %scan3A_60 = scf.for %scan3A_80 = %scan3A_56 to %scan3A_58 step %scan3A_59 iter_args(%scan3A_81 = %scan3A_55) -> (i32)  : i32 {
      %mul3A_82 = arith.constant 16 : i32
      %mul3A_83 = arith.muli %scan3A_80, %mul3A_82 : i32
      %broadcast_in_dim3A = arith.constant 0x7F800000 : f32
      %broadcast_in_dim3A_84 = vector.broadcast %broadcast_in_dim3A : f32 to vector<16xf32>
      %swap3A = arith.index_cast %mul3A_83 : i32 to index
      %swap3A_85 = tpu.vector_load %arg21[%swap3A] {strides = array<i32>} : memref<2048xf32, #tpu.memory_space<vmem>>, vector<16xf32>,
      tpu.vector_store %arg21[%swap3A], %broadcast_in_dim3A_84 {strides = array<i32>} : memref<2048xf32, #tpu.memory_space<vmem>>, vector<16xf32>,
      %swap3A_86 = arith.index_cast %mul3A_83 : i32 to index
      %swap3A_87 = tpu.vector_load %arg22[%swap3A_86] {strides = array<i32>} : memref<2048xf32, #tpu.memory_space<vmem>>, vector<16xf32>,
      tpu.vector_store %arg22[%swap3A_86], %broadcast_in_dim3A_84 {strides = array<i32>} : memref<2048xf32, #tpu.memory_space<vmem>>, vector<16xf32>,
      %swap3A_88 = arith.index_cast %mul3A_83 : i32 to index
      %swap3A_89 = tpu.vector_load %arg23[%swap3A_88] {strides = array<i32>} : memref<2048xf32, #tpu.memory_space<vmem>>, vector<16xf32>,
      tpu.vector_store %arg23[%swap3A_88], %broadcast_in_dim3A_84 {strides = array<i32>} : memref<2048xf32, #tpu.memory_space<vmem>>, vector<16xf32>,
      %swap3A_90 = arith.index_cast %mul3A_83 : i32 to index
      %swap3A_91 = tpu.vector_load %arg24[%swap3A_90] {strides = array<i32>} : memref<2048xf32, #tpu.memory_space<vmem>>, vector<16xf32>,
      tpu.vector_store %arg24[%swap3A_90], %broadcast_in_dim3A_84 {strides = array<i32>} : memref<2048xf32, #tpu.memory_space<vmem>>, vector<16xf32>,
      %swap3A_92 = arith.index_cast %mul3A_83 : i32 to index
      %swap3A_93 = tpu.vector_load %arg25[%swap3A_92] {strides = array<i32>} : memref<2048xf32, #tpu.memory_space<vmem>>, vector<16xf32>,
      tpu.vector_store %arg25[%swap3A_92], %broadcast_in_dim3A_84 {strides = array<i32>} : memref<2048xf32, #tpu.memory_space<vmem>>, vector<16xf32>,
      %swap3A_94 = arith.index_cast %mul3A_83 : i32 to index
      %swap3A_95 = tpu.vector_load %arg26[%swap3A_94] {strides = array<i32>} : memref<2048xf32, #tpu.memory_space<vmem>>, vector<16xf32>,
      tpu.vector_store %arg26[%swap3A_94], %broadcast_in_dim3A_84 {strides = array<i32>} : memref<2048xf32, #tpu.memory_space<vmem>>, vector<16xf32>,
      %swap3A_96 = arith.index_cast %mul3A_83 : i32 to index
      %swap3A_97 = tpu.vector_load %arg27[%swap3A_96] {strides = array<i32>} : memref<2048xf32, #tpu.memory_space<vmem>>, vector<16xf32>,
      tpu.vector_store %arg27[%swap3A_96], %broadcast_in_dim3A_84 {strides = array<i32>} : memref<2048xf32, #tpu.memory_space<vmem>>, vector<16xf32>,
      %swap3A_98 = arith.index_cast %mul3A_83 : i32 to index
      %swap3A_99 = tpu.vector_load %arg28[%swap3A_98] {strides = array<i32>} : memref<2048xf32, #tpu.memory_space<vmem>>, vector<16xf32>,
      tpu.vector_store %arg28[%swap3A_98], %broadcast_in_dim3A_84 {strides = array<i32>} : memref<2048xf32, #tpu.memory_space<vmem>>, vector<16xf32>,
      %scan3A_100 = arith.constant 0 : i32
      scf.yield %scan3A_100 : i32
    }
    %scan3A_61 = arith.constant 128 : i32
    %while3A = arith.constant 0 : i32
    %while3A_62 = arith.constant 0 : i32
    %while3A_63 = arith.subi %scan3A_53, %while3A : i32
    %while3A_64 = arith.addi %while3A, %while3A_63 : i32
    %while3A_65 = arith.constant 1 : i32
    %while3A_66 = arith.divsi %while3A_63, %while3A_65 : i32
    %while3A_67 = arith.muli %while3A_66, %while3A_65 : i32
    %while3A_68 = arith.addi %while3A, %while3A_67 : i32
    %while3A_69 = arith.constant 1 : i32
    %while3A_70 = scf.for %while3A_80 = %while3A to %while3A_68 step %while3A_69 iter_args(%while3A_81 = %while3A_62) -> (i32)  : i32 {
      %get3A = arith.index_cast %while3A_80 : i32 to index
      %get3A_82 = tpu.vector_load %arg13[%get3A] {strides = array<i32>} : memref<5136xi32, #tpu.memory_space<vmem>>, vector<16xi32>,
      %slice3A = vector.extract_strided_slice %get3A_82 {offsets = [0], sizes = [1], strides = [1]} : vector<16xi32> to vector<1xi32>
      %squeeze3A = vector.extract %slice3A[0] : i32 from vector<1xi32>
      %get3A_83 = arith.index_cast %while3A_80 : i32 to index
      %get3A_84 = tpu.vector_load %arg14[%get3A_83] {strides = array<i32>} : memref<5136xi32, #tpu.memory_space<vmem>>, vector<16xi32>,
      %slice3A_85 = vector.extract_strided_slice %get3A_84 {offsets = [0], sizes = [1], strides = [1]} : vector<16xi32> to vector<1xi32>
      %squeeze3A_86 = vector.extract %slice3A_85[0] : i32 from vector<1xi32>
      %get3A_87 = arith.index_cast %while3A_80 : i32 to index
      %get3A_88 = tpu.vector_load %arg15[%get3A_87] {strides = array<i32>} : memref<5136xi32, #tpu.memory_space<vmem>>, vector<16xi32>,
      %slice3A_89 = vector.extract_strided_slice %get3A_88 {offsets = [0], sizes = [1], strides = [1]} : vector<16xi32> to vector<1xi32>
      %squeeze3A_90 = vector.extract %slice3A_89[0] : i32 from vector<1xi32>
      %get3A_91 = arith.index_cast %while3A_80 : i32 to index
      %get3A_92 = tpu.vector_load %arg16[%get3A_91] {strides = array<i32>} : memref<5136xi32, #tpu.memory_space<vmem>>, vector<16xi32>,
      %slice3A_93 = vector.extract_strided_slice %get3A_92 {offsets = [0], sizes = [1], strides = [1]} : vector<16xi32> to vector<1xi32>
      %squeeze3A_94 = vector.extract %slice3A_93[0] : i32 from vector<1xi32>
      %get3A_95 = arith.index_cast %while3A_80 : i32 to index
      %get3A_96 = tpu.vector_load %arg17[%get3A_95] {strides = array<i32>} : memref<5136xf32, #tpu.memory_space<vmem>>, vector<16xf32>,
      %slice3A_97 = vector.extract_strided_slice %get3A_96 {offsets = [0], sizes = [1], strides = [1]} : vector<16xf32> to vector<1xf32>
      %squeeze3A_98 = vector.extract %slice3A_97[0] : f32 from vector<1xf32>
      %broadcast_in_dim3A = vector.broadcast %squeeze3A_98 : f32 to vector<16xf32>
      %get3A_99 = arith.index_cast %while3A_80 : i32 to index
      %get3A_100 = tpu.vector_load %arg18[%get3A_99] {strides = array<i32>} : memref<5136xf32, #tpu.memory_space<vmem>>, vector<16xf32>,
      %slice3A_101 = vector.extract_strided_slice %get3A_100 {offsets = [0], sizes = [1], strides = [1]} : vector<16xf32> to vector<1xf32>
      %squeeze3A_102 = vector.extract %slice3A_101[0] : f32 from vector<1xf32>
      %broadcast_in_dim3A_103 = vector.broadcast %squeeze3A_102 : f32 to vector<16xf32>
      %get3A_104 = arith.index_cast %while3A_80 : i32 to index
      %get3A_105 = tpu.vector_load %arg19[%get3A_104] {strides = array<i32>} : memref<5136xf32, #tpu.memory_space<vmem>>, vector<16xf32>,
      %slice3A_106 = vector.extract_strided_slice %get3A_105 {offsets = [0], sizes = [1], strides = [1]} : vector<16xf32> to vector<1xf32>
      %squeeze3A_107 = vector.extract %slice3A_106[0] : f32 from vector<1xf32>
      %broadcast_in_dim3A_108 = vector.broadcast %squeeze3A_107 : f32 to vector<16xf32>
      %get3A_109 = arith.index_cast %while3A_80 : i32 to index
      %get3A_110 = tpu.vector_load %arg20[%get3A_109] {strides = array<i32>} : memref<5136xf32, #tpu.memory_space<vmem>>, vector<16xf32>,
      %slice3A_111 = vector.extract_strided_slice %get3A_110 {offsets = [0], sizes = [1], strides = [1]} : vector<16xf32> to vector<1xf32>
      %squeeze3A_112 = vector.extract %slice3A_111[0] : f32 from vector<1xf32>
      %broadcast_in_dim3A_113 = vector.broadcast %squeeze3A_112 : f32 to vector<16xf32>
      %broadcast_in_dim3A_114 = vector.broadcast %squeeze3A_86 : i32 to vector<16xi32>
      %lt3A = arith.cmpi slt, %iota3A, %broadcast_in_dim3A_114 : vector<16xi32>
      %broadcast_in_dim3A_115 = vector.broadcast %squeeze3A : i32 to vector<16xi32>
      %add3A_116 = arith.addi %broadcast_in_dim3A_115, %iota3A : vector<16xi32>
      %min3A = arith.constant 127 : i32
      %min3A_117 = vector.broadcast %min3A : i32 to vector<16xi32>
      %min3A_118 = arith.minsi %add3A_116, %min3A_117 : vector<16xi32>
      %broadcast_in_dim3A_119 = vector.broadcast %squeeze3A : i32 to vector<16xi32>
      %convert_element_type3A_120 = arith.sitofp %broadcast_in_dim3A_119 : vector<16xi32> to vector<16xf32>
      %add3A_121 = arith.addf %convert_element_type3A_120, %convert_element_type3A : vector<16xf32>
      %add3A_122 = arith.constant 5.000000e-01 : f32
      %add3A_123 = vector.broadcast %add3A_122 : f32 to vector<16xf32>
      %add3A_124 = arith.addf %add3A_121, %add3A_123 : vector<16xf32>
      %mul3A_125 = arith.constant 1.562500e-02 : f32
      %mul3A_126 = vector.broadcast %mul3A_125 : f32 to vector<16xf32>
      %mul3A_127 = arith.mulf %add3A_124, %mul3A_126 : vector<16xf32>
      %sub3A = arith.constant 1.000000e+00 : f32
      %sub3A_128 = vector.broadcast %sub3A : f32 to vector<16xf32>
      %sub3A_129 = arith.subf %mul3A_127, %sub3A_128 : vector<16xf32>
      %sub3A_130 = arith.subf %sub3A_129, %broadcast_in_dim3A : vector<16xf32>
      %mul3A_131 = arith.mulf %sub3A_130, %sub3A_130 : vector<16xf32>
      %sub3A_132 = arith.subi %squeeze3A_94, %squeeze3A_90 : i32
      %shift_right_arithmetic3A_133 = arith.constant 3 : i32
      %shift_right_arithmetic3A_134 = arith.shrsi %sub3A_132, %shift_right_arithmetic3A_133 : i32
      %add3A_135 = arith.constant 1 : i32
      %add3A_136 = arith.addi %shift_right_arithmetic3A_134, %add3A_135 : i32
      %max3A = arith.constant 0 : i32
      %max3A_137 = arith.maxsi %add3A_136, %max3A : i32
      %while3A_138 = arith.constant 0 : i32
      %while3A_139 = arith.constant 0 : i32
      %while3A_140 = arith.subi %max3A_137, %while3A_138 : i32
      %while3A_141 = arith.addi %while3A_138, %while3A_140 : i32
      %while3A_142 = arith.constant 1 : i32
      %while3A_143 = arith.divsi %while3A_140, %while3A_142 : i32
      %while3A_144 = arith.muli %while3A_143, %while3A_142 : i32
      %while3A_145 = arith.addi %while3A_138, %while3A_144 : i32
      %while3A_146 = arith.constant 1 : i32
      %while3A_147 = scf.for %while3A_151 = %while3A_138 to %while3A_145 step %while3A_146 iter_args(%while3A_152 = %while3A_139) -> (i32)  : i32 {
        %mul3A_153 = arith.constant 8 : i32
        %mul3A_154 = arith.muli %while3A_151, %mul3A_153 : i32
        %add3A_155 = arith.addi %squeeze3A_90, %mul3A_154 : i32
        %shift_right_arithmetic3A_156 = arith.constant 3 : i32
        %shift_right_arithmetic3A_157 = arith.shrsi %add3A_155, %shift_right_arithmetic3A_156 : i32
        %mul3A_158 = arith.constant 128 : i32
        %mul3A_159 = arith.muli %shift_right_arithmetic3A_157, %mul3A_158 : i32
        %broadcast_in_dim3A_160 = vector.broadcast %add3A_155 : i32 to vector<16xi32>
        %convert_element_type3A_161 = arith.sitofp %broadcast_in_dim3A_160 : vector<16xi32> to vector<16xf32>
        %mul3A_162 = arith.constant 1.562500e-02 : f32
        %mul3A_163 = vector.broadcast %mul3A_162 : f32 to vector<16xf32>
        %mul3A_164 = arith.mulf %convert_element_type3A_161, %mul3A_163 : vector<16xf32>
        %add3A_165 = arith.constant -0.9921875 : f32
        %add3A_166 = vector.broadcast %add3A_165 : f32 to vector<16xf32>
        %add3A_167 = arith.addf %mul3A_164, %add3A_166 : vector<16xf32>
        %sub3A_168 = arith.subf %add3A_167, %broadcast_in_dim3A_103 : vector<16xf32>
        %mul3A_169 = arith.mulf %sub3A_168, %sub3A_168 : vector<16xf32>
        %add3A_170 = arith.addf %mul3A_131, %mul3A_169 : vector<16xf32>
        %lt3A_171 = arith.cmpf olt, %add3A_170, %broadcast_in_dim3A_108 : vector<16xf32>
        %and3A_172 = arith.andi %lt3A_171, %lt3A : vector<16xi1>
        %jit3A = arith.constant 0x7F800000 : f32
        %broadcast_in_dim3A_173 = vector.broadcast %jit3A : f32 to vector<16xf32>
        %select_n3A = arith.select %and3A_172, %broadcast_in_dim3A_113, %broadcast_in_dim3A_173 : vector<16xi1>, vector<16xf32>
        %broadcast_in_dim3A_174 = vector.broadcast %mul3A_159 : i32 to vector<16xi32>
        %add3A_175 = arith.addi %broadcast_in_dim3A_174, %min3A_118 : vector<16xi32>
        %gather3A = tpu.vector_load_idx %arg21[%add3A_175] : memref<2048xf32, #tpu.memory_space<vmem>>[vector<16xi32>], vector<16xf32>,
        %gather3A_176 = tpu.vector_load_idx %arg22[%add3A_175] : memref<2048xf32, #tpu.memory_space<vmem>>[vector<16xi32>], vector<16xf32>,
        %gather3A_177 = tpu.vector_load_idx %arg23[%add3A_175] : memref<2048xf32, #tpu.memory_space<vmem>>[vector<16xi32>], vector<16xf32>,
        %gather3A_178 = tpu.vector_load_idx %arg24[%add3A_175] : memref<2048xf32, #tpu.memory_space<vmem>>[vector<16xi32>], vector<16xf32>,
        %gather3A_179 = tpu.vector_load_idx %arg25[%add3A_175] : memref<2048xf32, #tpu.memory_space<vmem>>[vector<16xi32>], vector<16xf32>,
        %gather3A_180 = tpu.vector_load_idx %arg26[%add3A_175] : memref<2048xf32, #tpu.memory_space<vmem>>[vector<16xi32>], vector<16xf32>,
        %gather3A_181 = tpu.vector_load_idx %arg27[%add3A_175] : memref<2048xf32, #tpu.memory_space<vmem>>[vector<16xi32>], vector<16xf32>,
        %gather3A_182 = tpu.vector_load_idx %arg28[%add3A_175] : memref<2048xf32, #tpu.memory_space<vmem>>[vector<16xi32>], vector<16xf32>,
        %min3A_183 = arith.minimumf %gather3A, %select_n3A : vector<16xf32>
        tpu.vector_store_idx %arg21[%add3A_175], %min3A_183 masked %and3A_172 : memref<2048xf32, #tpu.memory_space<vmem>>[vector<16xi32>], vector<16xf32>, vector<16xi1>
        %min3A_184 = arith.minimumf %gather3A_176, %select_n3A : vector<16xf32>
        %max3A_185 = arith.maximumf %gather3A, %min3A_184 : vector<16xf32>
        tpu.vector_store_idx %arg22[%add3A_175], %max3A_185 masked %and3A_172 : memref<2048xf32, #tpu.memory_space<vmem>>[vector<16xi32>], vector<16xf32>, vector<16xi1>
        %min3A_186 = arith.minimumf %gather3A_177, %select_n3A : vector<16xf32>
        %max3A_187 = arith.maximumf %gather3A_176, %min3A_186 : vector<16xf32>
        tpu.vector_store_idx %arg23[%add3A_175], %max3A_187 masked %and3A_172 : memref<2048xf32, #tpu.memory_space<vmem>>[vector<16xi32>], vector<16xf32>, vector<16xi1>
        %min3A_188 = arith.minimumf %gather3A_178, %select_n3A : vector<16xf32>
        %max3A_189 = arith.maximumf %gather3A_177, %min3A_188 : vector<16xf32>
        tpu.vector_store_idx %arg24[%add3A_175], %max3A_189 masked %and3A_172 : memref<2048xf32, #tpu.memory_space<vmem>>[vector<16xi32>], vector<16xf32>, vector<16xi1>
        %min3A_190 = arith.minimumf %gather3A_179, %select_n3A : vector<16xf32>
        %max3A_191 = arith.maximumf %gather3A_178, %min3A_190 : vector<16xf32>
        tpu.vector_store_idx %arg25[%add3A_175], %max3A_191 masked %and3A_172 : memref<2048xf32, #tpu.memory_space<vmem>>[vector<16xi32>], vector<16xf32>, vector<16xi1>
        %min3A_192 = arith.minimumf %gather3A_180, %select_n3A : vector<16xf32>
        %max3A_193 = arith.maximumf %gather3A_179, %min3A_192 : vector<16xf32>
        tpu.vector_store_idx %arg26[%add3A_175], %max3A_193 masked %and3A_172 : memref<2048xf32, #tpu.memory_space<vmem>>[vector<16xi32>], vector<16xf32>, vector<16xi1>
        %min3A_194 = arith.minimumf %gather3A_181, %select_n3A : vector<16xf32>
        %max3A_195 = arith.maximumf %gather3A_180, %min3A_194 : vector<16xf32>
        tpu.vector_store_idx %arg27[%add3A_175], %max3A_195 masked %and3A_172 : memref<2048xf32, #tpu.memory_space<vmem>>[vector<16xi32>], vector<16xf32>, vector<16xi1>
        %min3A_196 = arith.minimumf %gather3A_182, %select_n3A : vector<16xf32>
        %max3A_197 = arith.maximumf %gather3A_181, %min3A_196 : vector<16xf32>
        tpu.vector_store_idx %arg28[%add3A_175], %max3A_197 masked %and3A_172 : memref<2048xf32, #tpu.memory_space<vmem>>[vector<16xi32>], vector<16xf32>, vector<16xi1>
        %while3A_198 = arith.constant 0 : i32
        scf.yield %while3A_198 : i32
      }
      %while3A_148 = arith.constant 1 : i32
      %while3A_149 = scf.for %while3A_151 = %while3A_145 to %while3A_141 step %while3A_148 iter_args(%while3A_152 = %while3A_147) -> (i32)  : i32 {
        %mul3A_153 = arith.constant 8 : i32
        %mul3A_154 = arith.muli %while3A_151, %mul3A_153 : i32
        %add3A_155 = arith.addi %squeeze3A_90, %mul3A_154 : i32
        %shift_right_arithmetic3A_156 = arith.constant 3 : i32
        %shift_right_arithmetic3A_157 = arith.shrsi %add3A_155, %shift_right_arithmetic3A_156 : i32
        %mul3A_158 = arith.constant 128 : i32
        %mul3A_159 = arith.muli %shift_right_arithmetic3A_157, %mul3A_158 : i32
        %broadcast_in_dim3A_160 = vector.broadcast %add3A_155 : i32 to vector<16xi32>
        %convert_element_type3A_161 = arith.sitofp %broadcast_in_dim3A_160 : vector<16xi32> to vector<16xf32>
        %mul3A_162 = arith.constant 1.562500e-02 : f32
        %mul3A_163 = vector.broadcast %mul3A_162 : f32 to vector<16xf32>
        %mul3A_164 = arith.mulf %convert_element_type3A_161, %mul3A_163 : vector<16xf32>
        %add3A_165 = arith.constant -0.9921875 : f32
        %add3A_166 = vector.broadcast %add3A_165 : f32 to vector<16xf32>
        %add3A_167 = arith.addf %mul3A_164, %add3A_166 : vector<16xf32>
        %sub3A_168 = arith.subf %add3A_167, %broadcast_in_dim3A_103 : vector<16xf32>
        %mul3A_169 = arith.mulf %sub3A_168, %sub3A_168 : vector<16xf32>
        %add3A_170 = arith.addf %mul3A_131, %mul3A_169 : vector<16xf32>
        %lt3A_171 = arith.cmpf olt, %add3A_170, %broadcast_in_dim3A_108 : vector<16xf32>
        %and3A_172 = arith.andi %lt3A_171, %lt3A : vector<16xi1>
        %jit3A = arith.constant 0x7F800000 : f32
        %broadcast_in_dim3A_173 = vector.broadcast %jit3A : f32 to vector<16xf32>
        %select_n3A = arith.select %and3A_172, %broadcast_in_dim3A_113, %broadcast_in_dim3A_173 : vector<16xi1>, vector<16xf32>
        %broadcast_in_dim3A_174 = vector.broadcast %mul3A_159 : i32 to vector<16xi32>
        %add3A_175 = arith.addi %broadcast_in_dim3A_174, %min3A_118 : vector<16xi32>
        %gather3A = tpu.vector_load_idx %arg21[%add3A_175] : memref<2048xf32, #tpu.memory_space<vmem>>[vector<16xi32>], vector<16xf32>,
        %gather3A_176 = tpu.vector_load_idx %arg22[%add3A_175] : memref<2048xf32, #tpu.memory_space<vmem>>[vector<16xi32>], vector<16xf32>,
        %gather3A_177 = tpu.vector_load_idx %arg23[%add3A_175] : memref<2048xf32, #tpu.memory_space<vmem>>[vector<16xi32>], vector<16xf32>,
        %gather3A_178 = tpu.vector_load_idx %arg24[%add3A_175] : memref<2048xf32, #tpu.memory_space<vmem>>[vector<16xi32>], vector<16xf32>,
        %gather3A_179 = tpu.vector_load_idx %arg25[%add3A_175] : memref<2048xf32, #tpu.memory_space<vmem>>[vector<16xi32>], vector<16xf32>,
        %gather3A_180 = tpu.vector_load_idx %arg26[%add3A_175] : memref<2048xf32, #tpu.memory_space<vmem>>[vector<16xi32>], vector<16xf32>,
        %gather3A_181 = tpu.vector_load_idx %arg27[%add3A_175] : memref<2048xf32, #tpu.memory_space<vmem>>[vector<16xi32>], vector<16xf32>,
        %gather3A_182 = tpu.vector_load_idx %arg28[%add3A_175] : memref<2048xf32, #tpu.memory_space<vmem>>[vector<16xi32>], vector<16xf32>,
        %min3A_183 = arith.minimumf %gather3A, %select_n3A : vector<16xf32>
        tpu.vector_store_idx %arg21[%add3A_175], %min3A_183 masked %and3A_172 : memref<2048xf32, #tpu.memory_space<vmem>>[vector<16xi32>], vector<16xf32>, vector<16xi1>
        %min3A_184 = arith.minimumf %gather3A_176, %select_n3A : vector<16xf32>
        %max3A_185 = arith.maximumf %gather3A, %min3A_184 : vector<16xf32>
        tpu.vector_store_idx %arg22[%add3A_175], %max3A_185 masked %and3A_172 : memref<2048xf32, #tpu.memory_space<vmem>>[vector<16xi32>], vector<16xf32>, vector<16xi1>
        %min3A_186 = arith.minimumf %gather3A_177, %select_n3A : vector<16xf32>
        %max3A_187 = arith.maximumf %gather3A_176, %min3A_186 : vector<16xf32>
        tpu.vector_store_idx %arg23[%add3A_175], %max3A_187 masked %and3A_172 : memref<2048xf32, #tpu.memory_space<vmem>>[vector<16xi32>], vector<16xf32>, vector<16xi1>
        %min3A_188 = arith.minimumf %gather3A_178, %select_n3A : vector<16xf32>
        %max3A_189 = arith.maximumf %gather3A_177, %min3A_188 : vector<16xf32>
        tpu.vector_store_idx %arg24[%add3A_175], %max3A_189 masked %and3A_172 : memref<2048xf32, #tpu.memory_space<vmem>>[vector<16xi32>], vector<16xf32>, vector<16xi1>
        %min3A_190 = arith.minimumf %gather3A_179, %select_n3A : vector<16xf32>
        %max3A_191 = arith.maximumf %gather3A_178, %min3A_190 : vector<16xf32>
        tpu.vector_store_idx %arg25[%add3A_175], %max3A_191 masked %and3A_172 : memref<2048xf32, #tpu.memory_space<vmem>>[vector<16xi32>], vector<16xf32>, vector<16xi1>
        %min3A_192 = arith.minimumf %gather3A_180, %select_n3A : vector<16xf32>
        %max3A_193 = arith.maximumf %gather3A_179, %min3A_192 : vector<16xf32>
        tpu.vector_store_idx %arg26[%add3A_175], %max3A_193 masked %and3A_172 : memref<2048xf32, #tpu.memory_space<vmem>>[vector<16xi32>], vector<16xf32>, vector<16xi1>
        %min3A_194 = arith.minimumf %gather3A_181, %select_n3A : vector<16xf32>
        %max3A_195 = arith.maximumf %gather3A_180, %min3A_194 : vector<16xf32>
        tpu.vector_store_idx %arg27[%add3A_175], %max3A_195 masked %and3A_172 : memref<2048xf32, #tpu.memory_space<vmem>>[vector<16xi32>], vector<16xf32>, vector<16xi1>
        %min3A_196 = arith.minimumf %gather3A_182, %select_n3A : vector<16xf32>
        %max3A_197 = arith.maximumf %gather3A_181, %min3A_196 : vector<16xf32>
        tpu.vector_store_idx %arg28[%add3A_175], %max3A_197 masked %and3A_172 : memref<2048xf32, #tpu.memory_space<vmem>>[vector<16xi32>], vector<16xf32>, vector<16xi1>
        %while3A_198 = arith.constant 0 : i32
        scf.yield %while3A_198 : i32
      }
      %while3A_150 = arith.constant 0 : i32
      scf.yield %while3A_150 : i32
    }
    %while3A_71 = arith.constant 1 : i32
    %while3A_72 = scf.for %while3A_80 = %while3A_68 to %while3A_64 step %while3A_71 iter_args(%while3A_81 = %while3A_70) -> (i32)  : i32 {
      %get3A = arith.index_cast %while3A_80 : i32 to index
      %get3A_82 = tpu.vector_load %arg13[%get3A] {strides = array<i32>} : memref<5136xi32, #tpu.memory_space<vmem>>, vector<16xi32>,
      %slice3A = vector.extract_strided_slice %get3A_82 {offsets = [0], sizes = [1], strides = [1]} : vector<16xi32> to vector<1xi32>
      %squeeze3A = vector.extract %slice3A[0] : i32 from vector<1xi32>
      %get3A_83 = arith.index_cast %while3A_80 : i32 to index
      %get3A_84 = tpu.vector_load %arg14[%get3A_83] {strides = array<i32>} : memref<5136xi32, #tpu.memory_space<vmem>>, vector<16xi32>,
      %slice3A_85 = vector.extract_strided_slice %get3A_84 {offsets = [0], sizes = [1], strides = [1]} : vector<16xi32> to vector<1xi32>
      %squeeze3A_86 = vector.extract %slice3A_85[0] : i32 from vector<1xi32>
      %get3A_87 = arith.index_cast %while3A_80 : i32 to index
      %get3A_88 = tpu.vector_load %arg15[%get3A_87] {strides = array<i32>} : memref<5136xi32, #tpu.memory_space<vmem>>, vector<16xi32>,
      %slice3A_89 = vector.extract_strided_slice %get3A_88 {offsets = [0], sizes = [1], strides = [1]} : vector<16xi32> to vector<1xi32>
      %squeeze3A_90 = vector.extract %slice3A_89[0] : i32 from vector<1xi32>
      %get3A_91 = arith.index_cast %while3A_80 : i32 to index
      %get3A_92 = tpu.vector_load %arg16[%get3A_91] {strides = array<i32>} : memref<5136xi32, #tpu.memory_space<vmem>>, vector<16xi32>,
      %slice3A_93 = vector.extract_strided_slice %get3A_92 {offsets = [0], sizes = [1], strides = [1]} : vector<16xi32> to vector<1xi32>
      %squeeze3A_94 = vector.extract %slice3A_93[0] : i32 from vector<1xi32>
      %get3A_95 = arith.index_cast %while3A_80 : i32 to index
      %get3A_96 = tpu.vector_load %arg17[%get3A_95] {strides = array<i32>} : memref<5136xf32, #tpu.memory_space<vmem>>, vector<16xf32>,
      %slice3A_97 = vector.extract_strided_slice %get3A_96 {offsets = [0], sizes = [1], strides = [1]} : vector<16xf32> to vector<1xf32>
      %squeeze3A_98 = vector.extract %slice3A_97[0] : f32 from vector<1xf32>
      %broadcast_in_dim3A = vector.broadcast %squeeze3A_98 : f32 to vector<16xf32>
      %get3A_99 = arith.index_cast %while3A_80 : i32 to index
      %get3A_100 = tpu.vector_load %arg18[%get3A_99] {strides = array<i32>} : memref<5136xf32, #tpu.memory_space<vmem>>, vector<16xf32>,
      %slice3A_101 = vector.extract_strided_slice %get3A_100 {offsets = [0], sizes = [1], strides = [1]} : vector<16xf32> to vector<1xf32>
      %squeeze3A_102 = vector.extract %slice3A_101[0] : f32 from vector<1xf32>
      %broadcast_in_dim3A_103 = vector.broadcast %squeeze3A_102 : f32 to vector<16xf32>
      %get3A_104 = arith.index_cast %while3A_80 : i32 to index
      %get3A_105 = tpu.vector_load %arg19[%get3A_104] {strides = array<i32>} : memref<5136xf32, #tpu.memory_space<vmem>>, vector<16xf32>,
      %slice3A_106 = vector.extract_strided_slice %get3A_105 {offsets = [0], sizes = [1], strides = [1]} : vector<16xf32> to vector<1xf32>
      %squeeze3A_107 = vector.extract %slice3A_106[0] : f32 from vector<1xf32>
      %broadcast_in_dim3A_108 = vector.broadcast %squeeze3A_107 : f32 to vector<16xf32>
      %get3A_109 = arith.index_cast %while3A_80 : i32 to index
      %get3A_110 = tpu.vector_load %arg20[%get3A_109] {strides = array<i32>} : memref<5136xf32, #tpu.memory_space<vmem>>, vector<16xf32>,
      %slice3A_111 = vector.extract_strided_slice %get3A_110 {offsets = [0], sizes = [1], strides = [1]} : vector<16xf32> to vector<1xf32>
      %squeeze3A_112 = vector.extract %slice3A_111[0] : f32 from vector<1xf32>
      %broadcast_in_dim3A_113 = vector.broadcast %squeeze3A_112 : f32 to vector<16xf32>
      %broadcast_in_dim3A_114 = vector.broadcast %squeeze3A_86 : i32 to vector<16xi32>
      %lt3A = arith.cmpi slt, %iota3A, %broadcast_in_dim3A_114 : vector<16xi32>
      %broadcast_in_dim3A_115 = vector.broadcast %squeeze3A : i32 to vector<16xi32>
      %add3A_116 = arith.addi %broadcast_in_dim3A_115, %iota3A : vector<16xi32>
      %min3A = arith.constant 127 : i32
      %min3A_117 = vector.broadcast %min3A : i32 to vector<16xi32>
      %min3A_118 = arith.minsi %add3A_116, %min3A_117 : vector<16xi32>
      %broadcast_in_dim3A_119 = vector.broadcast %squeeze3A : i32 to vector<16xi32>
      %convert_element_type3A_120 = arith.sitofp %broadcast_in_dim3A_119 : vector<16xi32> to vector<16xf32>
      %add3A_121 = arith.addf %convert_element_type3A_120, %convert_element_type3A : vector<16xf32>
      %add3A_122 = arith.constant 5.000000e-01 : f32
      %add3A_123 = vector.broadcast %add3A_122 : f32 to vector<16xf32>
      %add3A_124 = arith.addf %add3A_121, %add3A_123 : vector<16xf32>
      %mul3A_125 = arith.constant 1.562500e-02 : f32
      %mul3A_126 = vector.broadcast %mul3A_125 : f32 to vector<16xf32>
      %mul3A_127 = arith.mulf %add3A_124, %mul3A_126 : vector<16xf32>
      %sub3A = arith.constant 1.000000e+00 : f32
      %sub3A_128 = vector.broadcast %sub3A : f32 to vector<16xf32>
      %sub3A_129 = arith.subf %mul3A_127, %sub3A_128 : vector<16xf32>
      %sub3A_130 = arith.subf %sub3A_129, %broadcast_in_dim3A : vector<16xf32>
      %mul3A_131 = arith.mulf %sub3A_130, %sub3A_130 : vector<16xf32>
      %sub3A_132 = arith.subi %squeeze3A_94, %squeeze3A_90 : i32
      %shift_right_arithmetic3A_133 = arith.constant 3 : i32
      %shift_right_arithmetic3A_134 = arith.shrsi %sub3A_132, %shift_right_arithmetic3A_133 : i32
      %add3A_135 = arith.constant 1 : i32
      %add3A_136 = arith.addi %shift_right_arithmetic3A_134, %add3A_135 : i32
      %max3A = arith.constant 0 : i32
      %max3A_137 = arith.maxsi %add3A_136, %max3A : i32
      %while3A_138 = arith.constant 0 : i32
      %while3A_139 = arith.constant 0 : i32
      %while3A_140 = arith.subi %max3A_137, %while3A_138 : i32
      %while3A_141 = arith.addi %while3A_138, %while3A_140 : i32
      %while3A_142 = arith.constant 1 : i32
      %while3A_143 = arith.divsi %while3A_140, %while3A_142 : i32
      %while3A_144 = arith.muli %while3A_143, %while3A_142 : i32
      %while3A_145 = arith.addi %while3A_138, %while3A_144 : i32
      %while3A_146 = arith.constant 1 : i32
      %while3A_147 = scf.for %while3A_151 = %while3A_138 to %while3A_145 step %while3A_146 iter_args(%while3A_152 = %while3A_139) -> (i32)  : i32 {
        %mul3A_153 = arith.constant 8 : i32
        %mul3A_154 = arith.muli %while3A_151, %mul3A_153 : i32
        %add3A_155 = arith.addi %squeeze3A_90, %mul3A_154 : i32
        %shift_right_arithmetic3A_156 = arith.constant 3 : i32
        %shift_right_arithmetic3A_157 = arith.shrsi %add3A_155, %shift_right_arithmetic3A_156 : i32
        %mul3A_158 = arith.constant 128 : i32
        %mul3A_159 = arith.muli %shift_right_arithmetic3A_157, %mul3A_158 : i32
        %broadcast_in_dim3A_160 = vector.broadcast %add3A_155 : i32 to vector<16xi32>
        %convert_element_type3A_161 = arith.sitofp %broadcast_in_dim3A_160 : vector<16xi32> to vector<16xf32>
        %mul3A_162 = arith.constant 1.562500e-02 : f32
        %mul3A_163 = vector.broadcast %mul3A_162 : f32 to vector<16xf32>
        %mul3A_164 = arith.mulf %convert_element_type3A_161, %mul3A_163 : vector<16xf32>
        %add3A_165 = arith.constant -0.9921875 : f32
        %add3A_166 = vector.broadcast %add3A_165 : f32 to vector<16xf32>
        %add3A_167 = arith.addf %mul3A_164, %add3A_166 : vector<16xf32>
        %sub3A_168 = arith.subf %add3A_167, %broadcast_in_dim3A_103 : vector<16xf32>
        %mul3A_169 = arith.mulf %sub3A_168, %sub3A_168 : vector<16xf32>
        %add3A_170 = arith.addf %mul3A_131, %mul3A_169 : vector<16xf32>
        %lt3A_171 = arith.cmpf olt, %add3A_170, %broadcast_in_dim3A_108 : vector<16xf32>
        %and3A_172 = arith.andi %lt3A_171, %lt3A : vector<16xi1>
        %jit3A = arith.constant 0x7F800000 : f32
        %broadcast_in_dim3A_173 = vector.broadcast %jit3A : f32 to vector<16xf32>
        %select_n3A = arith.select %and3A_172, %broadcast_in_dim3A_113, %broadcast_in_dim3A_173 : vector<16xi1>, vector<16xf32>
        %broadcast_in_dim3A_174 = vector.broadcast %mul3A_159 : i32 to vector<16xi32>
        %add3A_175 = arith.addi %broadcast_in_dim3A_174, %min3A_118 : vector<16xi32>
        %gather3A = tpu.vector_load_idx %arg21[%add3A_175] : memref<2048xf32, #tpu.memory_space<vmem>>[vector<16xi32>], vector<16xf32>,
        %gather3A_176 = tpu.vector_load_idx %arg22[%add3A_175] : memref<2048xf32, #tpu.memory_space<vmem>>[vector<16xi32>], vector<16xf32>,
        %gather3A_177 = tpu.vector_load_idx %arg23[%add3A_175] : memref<2048xf32, #tpu.memory_space<vmem>>[vector<16xi32>], vector<16xf32>,
        %gather3A_178 = tpu.vector_load_idx %arg24[%add3A_175] : memref<2048xf32, #tpu.memory_space<vmem>>[vector<16xi32>], vector<16xf32>,
        %gather3A_179 = tpu.vector_load_idx %arg25[%add3A_175] : memref<2048xf32, #tpu.memory_space<vmem>>[vector<16xi32>], vector<16xf32>,
        %gather3A_180 = tpu.vector_load_idx %arg26[%add3A_175] : memref<2048xf32, #tpu.memory_space<vmem>>[vector<16xi32>], vector<16xf32>,
        %gather3A_181 = tpu.vector_load_idx %arg27[%add3A_175] : memref<2048xf32, #tpu.memory_space<vmem>>[vector<16xi32>], vector<16xf32>,
        %gather3A_182 = tpu.vector_load_idx %arg28[%add3A_175] : memref<2048xf32, #tpu.memory_space<vmem>>[vector<16xi32>], vector<16xf32>,
        %min3A_183 = arith.minimumf %gather3A, %select_n3A : vector<16xf32>
        tpu.vector_store_idx %arg21[%add3A_175], %min3A_183 masked %and3A_172 : memref<2048xf32, #tpu.memory_space<vmem>>[vector<16xi32>], vector<16xf32>, vector<16xi1>
        %min3A_184 = arith.minimumf %gather3A_176, %select_n3A : vector<16xf32>
        %max3A_185 = arith.maximumf %gather3A, %min3A_184 : vector<16xf32>
        tpu.vector_store_idx %arg22[%add3A_175], %max3A_185 masked %and3A_172 : memref<2048xf32, #tpu.memory_space<vmem>>[vector<16xi32>], vector<16xf32>, vector<16xi1>
        %min3A_186 = arith.minimumf %gather3A_177, %select_n3A : vector<16xf32>
        %max3A_187 = arith.maximumf %gather3A_176, %min3A_186 : vector<16xf32>
        tpu.vector_store_idx %arg23[%add3A_175], %max3A_187 masked %and3A_172 : memref<2048xf32, #tpu.memory_space<vmem>>[vector<16xi32>], vector<16xf32>, vector<16xi1>
        %min3A_188 = arith.minimumf %gather3A_178, %select_n3A : vector<16xf32>
        %max3A_189 = arith.maximumf %gather3A_177, %min3A_188 : vector<16xf32>
        tpu.vector_store_idx %arg24[%add3A_175], %max3A_189 masked %and3A_172 : memref<2048xf32, #tpu.memory_space<vmem>>[vector<16xi32>], vector<16xf32>, vector<16xi1>
        %min3A_190 = arith.minimumf %gather3A_179, %select_n3A : vector<16xf32>
        %max3A_191 = arith.maximumf %gather3A_178, %min3A_190 : vector<16xf32>
        tpu.vector_store_idx %arg25[%add3A_175], %max3A_191 masked %and3A_172 : memref<2048xf32, #tpu.memory_space<vmem>>[vector<16xi32>], vector<16xf32>, vector<16xi1>
        %min3A_192 = arith.minimumf %gather3A_180, %select_n3A : vector<16xf32>
        %max3A_193 = arith.maximumf %gather3A_179, %min3A_192 : vector<16xf32>
        tpu.vector_store_idx %arg26[%add3A_175], %max3A_193 masked %and3A_172 : memref<2048xf32, #tpu.memory_space<vmem>>[vector<16xi32>], vector<16xf32>, vector<16xi1>
        %min3A_194 = arith.minimumf %gather3A_181, %select_n3A : vector<16xf32>
        %max3A_195 = arith.maximumf %gather3A_180, %min3A_194 : vector<16xf32>
        tpu.vector_store_idx %arg27[%add3A_175], %max3A_195 masked %and3A_172 : memref<2048xf32, #tpu.memory_space<vmem>>[vector<16xi32>], vector<16xf32>, vector<16xi1>
        %min3A_196 = arith.minimumf %gather3A_182, %select_n3A : vector<16xf32>
        %max3A_197 = arith.maximumf %gather3A_181, %min3A_196 : vector<16xf32>
        tpu.vector_store_idx %arg28[%add3A_175], %max3A_197 masked %and3A_172 : memref<2048xf32, #tpu.memory_space<vmem>>[vector<16xi32>], vector<16xf32>, vector<16xi1>
        %while3A_198 = arith.constant 0 : i32
        scf.yield %while3A_198 : i32
      }
      %while3A_148 = arith.constant 1 : i32
      %while3A_149 = scf.for %while3A_151 = %while3A_145 to %while3A_141 step %while3A_148 iter_args(%while3A_152 = %while3A_147) -> (i32)  : i32 {
        %mul3A_153 = arith.constant 8 : i32
        %mul3A_154 = arith.muli %while3A_151, %mul3A_153 : i32
        %add3A_155 = arith.addi %squeeze3A_90, %mul3A_154 : i32
        %shift_right_arithmetic3A_156 = arith.constant 3 : i32
        %shift_right_arithmetic3A_157 = arith.shrsi %add3A_155, %shift_right_arithmetic3A_156 : i32
        %mul3A_158 = arith.constant 128 : i32
        %mul3A_159 = arith.muli %shift_right_arithmetic3A_157, %mul3A_158 : i32
        %broadcast_in_dim3A_160 = vector.broadcast %add3A_155 : i32 to vector<16xi32>
        %convert_element_type3A_161 = arith.sitofp %broadcast_in_dim3A_160 : vector<16xi32> to vector<16xf32>
        %mul3A_162 = arith.constant 1.562500e-02 : f32
        %mul3A_163 = vector.broadcast %mul3A_162 : f32 to vector<16xf32>
        %mul3A_164 = arith.mulf %convert_element_type3A_161, %mul3A_163 : vector<16xf32>
        %add3A_165 = arith.constant -0.9921875 : f32
        %add3A_166 = vector.broadcast %add3A_165 : f32 to vector<16xf32>
        %add3A_167 = arith.addf %mul3A_164, %add3A_166 : vector<16xf32>
        %sub3A_168 = arith.subf %add3A_167, %broadcast_in_dim3A_103 : vector<16xf32>
        %mul3A_169 = arith.mulf %sub3A_168, %sub3A_168 : vector<16xf32>
        %add3A_170 = arith.addf %mul3A_131, %mul3A_169 : vector<16xf32>
        %lt3A_171 = arith.cmpf olt, %add3A_170, %broadcast_in_dim3A_108 : vector<16xf32>
        %and3A_172 = arith.andi %lt3A_171, %lt3A : vector<16xi1>
        %jit3A = arith.constant 0x7F800000 : f32
        %broadcast_in_dim3A_173 = vector.broadcast %jit3A : f32 to vector<16xf32>
        %select_n3A = arith.select %and3A_172, %broadcast_in_dim3A_113, %broadcast_in_dim3A_173 : vector<16xi1>, vector<16xf32>
        %broadcast_in_dim3A_174 = vector.broadcast %mul3A_159 : i32 to vector<16xi32>
        %add3A_175 = arith.addi %broadcast_in_dim3A_174, %min3A_118 : vector<16xi32>
        %gather3A = tpu.vector_load_idx %arg21[%add3A_175] : memref<2048xf32, #tpu.memory_space<vmem>>[vector<16xi32>], vector<16xf32>,
        %gather3A_176 = tpu.vector_load_idx %arg22[%add3A_175] : memref<2048xf32, #tpu.memory_space<vmem>>[vector<16xi32>], vector<16xf32>,
        %gather3A_177 = tpu.vector_load_idx %arg23[%add3A_175] : memref<2048xf32, #tpu.memory_space<vmem>>[vector<16xi32>], vector<16xf32>,
        %gather3A_178 = tpu.vector_load_idx %arg24[%add3A_175] : memref<2048xf32, #tpu.memory_space<vmem>>[vector<16xi32>], vector<16xf32>,
        %gather3A_179 = tpu.vector_load_idx %arg25[%add3A_175] : memref<2048xf32, #tpu.memory_space<vmem>>[vector<16xi32>], vector<16xf32>,
        %gather3A_180 = tpu.vector_load_idx %arg26[%add3A_175] : memref<2048xf32, #tpu.memory_space<vmem>>[vector<16xi32>], vector<16xf32>,
        %gather3A_181 = tpu.vector_load_idx %arg27[%add3A_175] : memref<2048xf32, #tpu.memory_space<vmem>>[vector<16xi32>], vector<16xf32>,
        %gather3A_182 = tpu.vector_load_idx %arg28[%add3A_175] : memref<2048xf32, #tpu.memory_space<vmem>>[vector<16xi32>], vector<16xf32>,
        %min3A_183 = arith.minimumf %gather3A, %select_n3A : vector<16xf32>
        tpu.vector_store_idx %arg21[%add3A_175], %min3A_183 masked %and3A_172 : memref<2048xf32, #tpu.memory_space<vmem>>[vector<16xi32>], vector<16xf32>, vector<16xi1>
        %min3A_184 = arith.minimumf %gather3A_176, %select_n3A : vector<16xf32>
        %max3A_185 = arith.maximumf %gather3A, %min3A_184 : vector<16xf32>
        tpu.vector_store_idx %arg22[%add3A_175], %max3A_185 masked %and3A_172 : memref<2048xf32, #tpu.memory_space<vmem>>[vector<16xi32>], vector<16xf32>, vector<16xi1>
        %min3A_186 = arith.minimumf %gather3A_177, %select_n3A : vector<16xf32>
        %max3A_187 = arith.maximumf %gather3A_176, %min3A_186 : vector<16xf32>
        tpu.vector_store_idx %arg23[%add3A_175], %max3A_187 masked %and3A_172 : memref<2048xf32, #tpu.memory_space<vmem>>[vector<16xi32>], vector<16xf32>, vector<16xi1>
        %min3A_188 = arith.minimumf %gather3A_178, %select_n3A : vector<16xf32>
        %max3A_189 = arith.maximumf %gather3A_177, %min3A_188 : vector<16xf32>
        tpu.vector_store_idx %arg24[%add3A_175], %max3A_189 masked %and3A_172 : memref<2048xf32, #tpu.memory_space<vmem>>[vector<16xi32>], vector<16xf32>, vector<16xi1>
        %min3A_190 = arith.minimumf %gather3A_179, %select_n3A : vector<16xf32>
        %max3A_191 = arith.maximumf %gather3A_178, %min3A_190 : vector<16xf32>
        tpu.vector_store_idx %arg25[%add3A_175], %max3A_191 masked %and3A_172 : memref<2048xf32, #tpu.memory_space<vmem>>[vector<16xi32>], vector<16xf32>, vector<16xi1>
        %min3A_192 = arith.minimumf %gather3A_180, %select_n3A : vector<16xf32>
        %max3A_193 = arith.maximumf %gather3A_179, %min3A_192 : vector<16xf32>
        tpu.vector_store_idx %arg26[%add3A_175], %max3A_193 masked %and3A_172 : memref<2048xf32, #tpu.memory_space<vmem>>[vector<16xi32>], vector<16xf32>, vector<16xi1>
        %min3A_194 = arith.minimumf %gather3A_181, %select_n3A : vector<16xf32>
        %max3A_195 = arith.maximumf %gather3A_180, %min3A_194 : vector<16xf32>
        tpu.vector_store_idx %arg27[%add3A_175], %max3A_195 masked %and3A_172 : memref<2048xf32, #tpu.memory_space<vmem>>[vector<16xi32>], vector<16xf32>, vector<16xi1>
        %min3A_196 = arith.minimumf %gather3A_182, %select_n3A : vector<16xf32>
        %max3A_197 = arith.maximumf %gather3A_181, %min3A_196 : vector<16xf32>
        tpu.vector_store_idx %arg28[%add3A_175], %max3A_197 masked %and3A_172 : memref<2048xf32, #tpu.memory_space<vmem>>[vector<16xi32>], vector<16xf32>, vector<16xi1>
        %while3A_198 = arith.constant 0 : i32
        scf.yield %while3A_198 : i32
      }
      %while3A_150 = arith.constant 0 : i32
      scf.yield %while3A_150 : i32
    }
    %scan3A_73 = arith.constant 0 : i32
    %scan3A_74 = arith.constant 0 : i32
    %scan3A_75 = arith.constant 16 : i32
    %scan3A_76 = arith.addi %scan3A_74, %scan3A_75 : i32
    %scan3A_77 = arith.constant 1 : i32
    %scan3A_78 = scf.for %scan3A_80 = %scan3A_74 to %scan3A_76 step %scan3A_77 iter_args(%scan3A_81 = %scan3A_73) -> (i32)  : i32 {
      %mul3A_82 = arith.constant 8 : i32
      %mul3A_83 = arith.muli %scan3A_80, %mul3A_82 : i32
      %add3A_84 = arith.addi %mul3A_83, %and3A_2 : i32
      %broadcast_in_dim3A = vector.broadcast %add3A_84 : i32 to vector<16xi32>
      %convert_element_type3A_85 = arith.sitofp %broadcast_in_dim3A : vector<16xi32> to vector<16xf32>
      %mul3A_86 = arith.constant 1.562500e-02 : f32
      %mul3A_87 = vector.broadcast %mul3A_86 : f32 to vector<16xf32>
      %mul3A_88 = arith.mulf %convert_element_type3A_85, %mul3A_87 : vector<16xf32>
      %add3A_89 = arith.constant -0.9921875 : f32
      %add3A_90 = vector.broadcast %add3A_89 : f32 to vector<16xf32>
      %add3A_91 = arith.addf %mul3A_88, %add3A_90 : vector<16xf32>
      %scan3A_92 = arith.constant 0 : i32
      %scan3A_93 = arith.constant 0 : i32
      %scan3A_94 = arith.constant 8 : i32
      %scan3A_95 = arith.addi %scan3A_93, %scan3A_94 : i32
      %scan3A_96 = arith.constant 1 : i32
      %scan3A_97 = scf.for %scan3A_148 = %scan3A_93 to %scan3A_95 step %scan3A_96 iter_args(%scan3A_149 = %scan3A_92) -> (i32)  : i32 {
        %mul3A_150 = arith.constant 16 : i32
        %mul3A_151 = arith.muli %scan3A_148, %mul3A_150 : i32
        %mul3A_152 = arith.constant 128 : i32
        %mul3A_153 = arith.muli %scan3A_80, %mul3A_152 : i32
        %add3A_154 = arith.addi %mul3A_153, %mul3A_151 : i32
        %broadcast_in_dim3A_155 = vector.broadcast %mul3A_151 : i32 to vector<16xi32>
        %add3A_156 = arith.addi %broadcast_in_dim3A_155, %iota3A : vector<16xi32>
        %convert_element_type3A_157 = arith.sitofp %add3A_156 : vector<16xi32> to vector<16xf32>
        %mul3A_158 = arith.constant 1.562500e-02 : f32
        %mul3A_159 = vector.broadcast %mul3A_158 : f32 to vector<16xf32>
        %mul3A_160 = arith.mulf %convert_element_type3A_157, %mul3A_159 : vector<16xf32>
        %add3A_161 = arith.constant -0.9921875 : f32
        %add3A_162 = vector.broadcast %add3A_161 : f32 to vector<16xf32>
        %add3A_163 = arith.addf %mul3A_160, %add3A_162 : vector<16xf32>
        %get3A = arith.index_cast %add3A_154 : i32 to index
        %get3A_164 = tpu.vector_load %arg21[%get3A] {strides = array<i32>} : memref<2048xf32, #tpu.memory_space<vmem>>, vector<16xf32>,
        %lt3A = arith.constant 0x7F800000 : f32
        %lt3A_165 = vector.broadcast %lt3A : f32 to vector<16xf32>
        %lt3A_166 = arith.cmpf olt, %get3A_164, %lt3A_165 : vector<16xf32>
        %bitcast_convert_type3A = tpu.bitcast %get3A_164 : vector<16xf32> -> vector<16xi32>
        %and3A_167 = arith.constant 8191 : i32
        %and3A_168 = vector.broadcast %and3A_167 : i32 to vector<16xi32>
        %and3A_169 = arith.andi %bitcast_convert_type3A, %and3A_168 : vector<16xi32>
        %and3A_170 = arith.constant -8192 : i32
        %and3A_171 = vector.broadcast %and3A_170 : i32 to vector<16xi32>
        %and3A_172 = arith.andi %bitcast_convert_type3A, %and3A_171 : vector<16xi32>
        %bitcast_convert_type3A_173 = tpu.bitcast %and3A_172 : vector<16xi32> -> vector<16xf32>
        %gather3A = tpu.vector_load_idx %arg9[%and3A_169] : memref<5120xf32, #tpu.memory_space<vmem>>[vector<16xi32>], vector<16xf32>,
        %gather3A_174 = tpu.vector_load_idx %arg10[%and3A_169] : memref<5120xf32, #tpu.memory_space<vmem>>[vector<16xi32>], vector<16xf32>,
        %sub3A = arith.subf %add3A_163, %gather3A : vector<16xf32>
        %sub3A_175 = arith.subf %add3A_91, %gather3A_174 : vector<16xf32>
        %mul3A_176 = arith.mulf %sub3A, %sub3A : vector<16xf32>
        %mul3A_177 = arith.mulf %sub3A_175, %sub3A_175 : vector<16xf32>
        %add3A_178 = arith.addf %mul3A_176, %mul3A_177 : vector<16xf32>
        %broadcast_in_dim3A_179 = arith.constant 0 : i32
        %broadcast_in_dim3A_180 = vector.broadcast %broadcast_in_dim3A_179 : i32 to vector<16xi32>
        %jit3A = arith.constant -1 : i32
        %broadcast_in_dim3A_181 = vector.broadcast %jit3A : i32 to vector<16xi32>
        %select_n3A = arith.select %lt3A_166, %and3A_169, %broadcast_in_dim3A_181 : vector<16xi1>, vector<16xi32>
        tpu.vector_store_idx %arg29[%add3A_156, %broadcast_in_dim3A_180], %select_n3A : memref<128x8xi32, #tpu.memory_space<vmem>>[vector<16xi32>, vector<16xi32>], vector<16xi32>,
        %jit3A_182 = arith.constant -1.000000e+00 : f32
        %broadcast_in_dim3A_183 = vector.broadcast %jit3A_182 : f32 to vector<16xf32>
        %select_n3A_184 = arith.select %lt3A_166, %bitcast_convert_type3A_173, %broadcast_in_dim3A_183 : vector<16xi1>, vector<16xf32>
        tpu.vector_store_idx %arg30[%add3A_156, %broadcast_in_dim3A_180], %select_n3A_184 : memref<128x8xf32, #tpu.memory_space<vmem>>[vector<16xi32>, vector<16xi32>], vector<16xf32>,
        %jit3A_185 = arith.constant -1.000000e+00 : f32
        %broadcast_in_dim3A_186 = vector.broadcast %jit3A_185 : f32 to vector<16xf32>
        %select_n3A_187 = arith.select %lt3A_166, %add3A_178, %broadcast_in_dim3A_186 : vector<16xi1>, vector<16xf32>
        tpu.vector_store_idx %arg31[%add3A_156, %broadcast_in_dim3A_180], %select_n3A_187 : memref<128x8xf32, #tpu.memory_space<vmem>>[vector<16xi32>, vector<16xi32>], vector<16xf32>,
        %get3A_188 = arith.index_cast %add3A_154 : i32 to index
        %get3A_189 = tpu.vector_load %arg22[%get3A_188] {strides = array<i32>} : memref<2048xf32, #tpu.memory_space<vmem>>, vector<16xf32>,
        %lt3A_190 = arith.constant 0x7F800000 : f32
        %lt3A_191 = vector.broadcast %lt3A_190 : f32 to vector<16xf32>
        %lt3A_192 = arith.cmpf olt, %get3A_189, %lt3A_191 : vector<16xf32>
        %bitcast_convert_type3A_193 = tpu.bitcast %get3A_189 : vector<16xf32> -> vector<16xi32>
        %and3A_194 = arith.constant 8191 : i32
        %and3A_195 = vector.broadcast %and3A_194 : i32 to vector<16xi32>
        %and3A_196 = arith.andi %bitcast_convert_type3A_193, %and3A_195 : vector<16xi32>
        %and3A_197 = arith.constant -8192 : i32
        %and3A_198 = vector.broadcast %and3A_197 : i32 to vector<16xi32>
        %and3A_199 = arith.andi %bitcast_convert_type3A_193, %and3A_198 : vector<16xi32>
        %bitcast_convert_type3A_200 = tpu.bitcast %and3A_199 : vector<16xi32> -> vector<16xf32>
        %gather3A_201 = tpu.vector_load_idx %arg9[%and3A_196] : memref<5120xf32, #tpu.memory_space<vmem>>[vector<16xi32>], vector<16xf32>,
        %gather3A_202 = tpu.vector_load_idx %arg10[%and3A_196] : memref<5120xf32, #tpu.memory_space<vmem>>[vector<16xi32>], vector<16xf32>,
        %sub3A_203 = arith.subf %add3A_163, %gather3A_201 : vector<16xf32>
        %sub3A_204 = arith.subf %add3A_91, %gather3A_202 : vector<16xf32>
        %mul3A_205 = arith.mulf %sub3A_203, %sub3A_203 : vector<16xf32>
        %mul3A_206 = arith.mulf %sub3A_204, %sub3A_204 : vector<16xf32>
        %add3A_207 = arith.addf %mul3A_205, %mul3A_206 : vector<16xf32>
        %broadcast_in_dim3A_208 = arith.constant 1 : i32
        %broadcast_in_dim3A_209 = vector.broadcast %broadcast_in_dim3A_208 : i32 to vector<16xi32>
        %jit3A_210 = arith.constant -1 : i32
        %broadcast_in_dim3A_211 = vector.broadcast %jit3A_210 : i32 to vector<16xi32>
        %select_n3A_212 = arith.select %lt3A_192, %and3A_196, %broadcast_in_dim3A_211 : vector<16xi1>, vector<16xi32>
        tpu.vector_store_idx %arg29[%add3A_156, %broadcast_in_dim3A_209], %select_n3A_212 : memref<128x8xi32, #tpu.memory_space<vmem>>[vector<16xi32>, vector<16xi32>], vector<16xi32>,
        %jit3A_213 = arith.constant -1.000000e+00 : f32
        %broadcast_in_dim3A_214 = vector.broadcast %jit3A_213 : f32 to vector<16xf32>
        %select_n3A_215 = arith.select %lt3A_192, %bitcast_convert_type3A_200, %broadcast_in_dim3A_214 : vector<16xi1>, vector<16xf32>
        tpu.vector_store_idx %arg30[%add3A_156, %broadcast_in_dim3A_209], %select_n3A_215 : memref<128x8xf32, #tpu.memory_space<vmem>>[vector<16xi32>, vector<16xi32>], vector<16xf32>,
        %jit3A_216 = arith.constant -1.000000e+00 : f32
        %broadcast_in_dim3A_217 = vector.broadcast %jit3A_216 : f32 to vector<16xf32>
        %select_n3A_218 = arith.select %lt3A_192, %add3A_207, %broadcast_in_dim3A_217 : vector<16xi1>, vector<16xf32>
        tpu.vector_store_idx %arg31[%add3A_156, %broadcast_in_dim3A_209], %select_n3A_218 : memref<128x8xf32, #tpu.memory_space<vmem>>[vector<16xi32>, vector<16xi32>], vector<16xf32>,
        %get3A_219 = arith.index_cast %add3A_154 : i32 to index
        %get3A_220 = tpu.vector_load %arg23[%get3A_219] {strides = array<i32>} : memref<2048xf32, #tpu.memory_space<vmem>>, vector<16xf32>,
        %lt3A_221 = arith.constant 0x7F800000 : f32
        %lt3A_222 = vector.broadcast %lt3A_221 : f32 to vector<16xf32>
        %lt3A_223 = arith.cmpf olt, %get3A_220, %lt3A_222 : vector<16xf32>
        %bitcast_convert_type3A_224 = tpu.bitcast %get3A_220 : vector<16xf32> -> vector<16xi32>
        %and3A_225 = arith.constant 8191 : i32
        %and3A_226 = vector.broadcast %and3A_225 : i32 to vector<16xi32>
        %and3A_227 = arith.andi %bitcast_convert_type3A_224, %and3A_226 : vector<16xi32>
        %and3A_228 = arith.constant -8192 : i32
        %and3A_229 = vector.broadcast %and3A_228 : i32 to vector<16xi32>
        %and3A_230 = arith.andi %bitcast_convert_type3A_224, %and3A_229 : vector<16xi32>
        %bitcast_convert_type3A_231 = tpu.bitcast %and3A_230 : vector<16xi32> -> vector<16xf32>
        %gather3A_232 = tpu.vector_load_idx %arg9[%and3A_227] : memref<5120xf32, #tpu.memory_space<vmem>>[vector<16xi32>], vector<16xf32>,
        %gather3A_233 = tpu.vector_load_idx %arg10[%and3A_227] : memref<5120xf32, #tpu.memory_space<vmem>>[vector<16xi32>], vector<16xf32>,
        %sub3A_234 = arith.subf %add3A_163, %gather3A_232 : vector<16xf32>
        %sub3A_235 = arith.subf %add3A_91, %gather3A_233 : vector<16xf32>
        %mul3A_236 = arith.mulf %sub3A_234, %sub3A_234 : vector<16xf32>
        %mul3A_237 = arith.mulf %sub3A_235, %sub3A_235 : vector<16xf32>
        %add3A_238 = arith.addf %mul3A_236, %mul3A_237 : vector<16xf32>
        %broadcast_in_dim3A_239 = arith.constant 2 : i32
        %broadcast_in_dim3A_240 = vector.broadcast %broadcast_in_dim3A_239 : i32 to vector<16xi32>
        %jit3A_241 = arith.constant -1 : i32
        %broadcast_in_dim3A_242 = vector.broadcast %jit3A_241 : i32 to vector<16xi32>
        %select_n3A_243 = arith.select %lt3A_223, %and3A_227, %broadcast_in_dim3A_242 : vector<16xi1>, vector<16xi32>
        tpu.vector_store_idx %arg29[%add3A_156, %broadcast_in_dim3A_240], %select_n3A_243 : memref<128x8xi32, #tpu.memory_space<vmem>>[vector<16xi32>, vector<16xi32>], vector<16xi32>,
        %jit3A_244 = arith.constant -1.000000e+00 : f32
        %broadcast_in_dim3A_245 = vector.broadcast %jit3A_244 : f32 to vector<16xf32>
        %select_n3A_246 = arith.select %lt3A_223, %bitcast_convert_type3A_231, %broadcast_in_dim3A_245 : vector<16xi1>, vector<16xf32>
        tpu.vector_store_idx %arg30[%add3A_156, %broadcast_in_dim3A_240], %select_n3A_246 : memref<128x8xf32, #tpu.memory_space<vmem>>[vector<16xi32>, vector<16xi32>], vector<16xf32>,
        %jit3A_247 = arith.constant -1.000000e+00 : f32
        %broadcast_in_dim3A_248 = vector.broadcast %jit3A_247 : f32 to vector<16xf32>
        %select_n3A_249 = arith.select %lt3A_223, %add3A_238, %broadcast_in_dim3A_248 : vector<16xi1>, vector<16xf32>
        tpu.vector_store_idx %arg31[%add3A_156, %broadcast_in_dim3A_240], %select_n3A_249 : memref<128x8xf32, #tpu.memory_space<vmem>>[vector<16xi32>, vector<16xi32>], vector<16xf32>,
        %get3A_250 = arith.index_cast %add3A_154 : i32 to index
        %get3A_251 = tpu.vector_load %arg24[%get3A_250] {strides = array<i32>} : memref<2048xf32, #tpu.memory_space<vmem>>, vector<16xf32>,
        %lt3A_252 = arith.constant 0x7F800000 : f32
        %lt3A_253 = vector.broadcast %lt3A_252 : f32 to vector<16xf32>
        %lt3A_254 = arith.cmpf olt, %get3A_251, %lt3A_253 : vector<16xf32>
        %bitcast_convert_type3A_255 = tpu.bitcast %get3A_251 : vector<16xf32> -> vector<16xi32>
        %and3A_256 = arith.constant 8191 : i32
        %and3A_257 = vector.broadcast %and3A_256 : i32 to vector<16xi32>
        %and3A_258 = arith.andi %bitcast_convert_type3A_255, %and3A_257 : vector<16xi32>
        %and3A_259 = arith.constant -8192 : i32
        %and3A_260 = vector.broadcast %and3A_259 : i32 to vector<16xi32>
        %and3A_261 = arith.andi %bitcast_convert_type3A_255, %and3A_260 : vector<16xi32>
        %bitcast_convert_type3A_262 = tpu.bitcast %and3A_261 : vector<16xi32> -> vector<16xf32>
        %gather3A_263 = tpu.vector_load_idx %arg9[%and3A_258] : memref<5120xf32, #tpu.memory_space<vmem>>[vector<16xi32>], vector<16xf32>,
        %gather3A_264 = tpu.vector_load_idx %arg10[%and3A_258] : memref<5120xf32, #tpu.memory_space<vmem>>[vector<16xi32>], vector<16xf32>,
        %sub3A_265 = arith.subf %add3A_163, %gather3A_263 : vector<16xf32>
        %sub3A_266 = arith.subf %add3A_91, %gather3A_264 : vector<16xf32>
        %mul3A_267 = arith.mulf %sub3A_265, %sub3A_265 : vector<16xf32>
        %mul3A_268 = arith.mulf %sub3A_266, %sub3A_266 : vector<16xf32>
        %add3A_269 = arith.addf %mul3A_267, %mul3A_268 : vector<16xf32>
        %broadcast_in_dim3A_270 = arith.constant 3 : i32
        %broadcast_in_dim3A_271 = vector.broadcast %broadcast_in_dim3A_270 : i32 to vector<16xi32>
        %jit3A_272 = arith.constant -1 : i32
        %broadcast_in_dim3A_273 = vector.broadcast %jit3A_272 : i32 to vector<16xi32>
        %select_n3A_274 = arith.select %lt3A_254, %and3A_258, %broadcast_in_dim3A_273 : vector<16xi1>, vector<16xi32>
        tpu.vector_store_idx %arg29[%add3A_156, %broadcast_in_dim3A_271], %select_n3A_274 : memref<128x8xi32, #tpu.memory_space<vmem>>[vector<16xi32>, vector<16xi32>], vector<16xi32>,
        %jit3A_275 = arith.constant -1.000000e+00 : f32
        %broadcast_in_dim3A_276 = vector.broadcast %jit3A_275 : f32 to vector<16xf32>
        %select_n3A_277 = arith.select %lt3A_254, %bitcast_convert_type3A_262, %broadcast_in_dim3A_276 : vector<16xi1>, vector<16xf32>
        tpu.vector_store_idx %arg30[%add3A_156, %broadcast_in_dim3A_271], %select_n3A_277 : memref<128x8xf32, #tpu.memory_space<vmem>>[vector<16xi32>, vector<16xi32>], vector<16xf32>,
        %jit3A_278 = arith.constant -1.000000e+00 : f32
        %broadcast_in_dim3A_279 = vector.broadcast %jit3A_278 : f32 to vector<16xf32>
        %select_n3A_280 = arith.select %lt3A_254, %add3A_269, %broadcast_in_dim3A_279 : vector<16xi1>, vector<16xf32>
        tpu.vector_store_idx %arg31[%add3A_156, %broadcast_in_dim3A_271], %select_n3A_280 : memref<128x8xf32, #tpu.memory_space<vmem>>[vector<16xi32>, vector<16xi32>], vector<16xf32>,
        %get3A_281 = arith.index_cast %add3A_154 : i32 to index
        %get3A_282 = tpu.vector_load %arg25[%get3A_281] {strides = array<i32>} : memref<2048xf32, #tpu.memory_space<vmem>>, vector<16xf32>,
        %lt3A_283 = arith.constant 0x7F800000 : f32
        %lt3A_284 = vector.broadcast %lt3A_283 : f32 to vector<16xf32>
        %lt3A_285 = arith.cmpf olt, %get3A_282, %lt3A_284 : vector<16xf32>
        %bitcast_convert_type3A_286 = tpu.bitcast %get3A_282 : vector<16xf32> -> vector<16xi32>
        %and3A_287 = arith.constant 8191 : i32
        %and3A_288 = vector.broadcast %and3A_287 : i32 to vector<16xi32>
        %and3A_289 = arith.andi %bitcast_convert_type3A_286, %and3A_288 : vector<16xi32>
        %and3A_290 = arith.constant -8192 : i32
        %and3A_291 = vector.broadcast %and3A_290 : i32 to vector<16xi32>
        %and3A_292 = arith.andi %bitcast_convert_type3A_286, %and3A_291 : vector<16xi32>
        %bitcast_convert_type3A_293 = tpu.bitcast %and3A_292 : vector<16xi32> -> vector<16xf32>
        %gather3A_294 = tpu.vector_load_idx %arg9[%and3A_289] : memref<5120xf32, #tpu.memory_space<vmem>>[vector<16xi32>], vector<16xf32>,
        %gather3A_295 = tpu.vector_load_idx %arg10[%and3A_289] : memref<5120xf32, #tpu.memory_space<vmem>>[vector<16xi32>], vector<16xf32>,
        %sub3A_296 = arith.subf %add3A_163, %gather3A_294 : vector<16xf32>
        %sub3A_297 = arith.subf %add3A_91, %gather3A_295 : vector<16xf32>
        %mul3A_298 = arith.mulf %sub3A_296, %sub3A_296 : vector<16xf32>
        %mul3A_299 = arith.mulf %sub3A_297, %sub3A_297 : vector<16xf32>
        %add3A_300 = arith.addf %mul3A_298, %mul3A_299 : vector<16xf32>
        %broadcast_in_dim3A_301 = arith.constant 4 : i32
        %broadcast_in_dim3A_302 = vector.broadcast %broadcast_in_dim3A_301 : i32 to vector<16xi32>
        %jit3A_303 = arith.constant -1 : i32
        %broadcast_in_dim3A_304 = vector.broadcast %jit3A_303 : i32 to vector<16xi32>
        %select_n3A_305 = arith.select %lt3A_285, %and3A_289, %broadcast_in_dim3A_304 : vector<16xi1>, vector<16xi32>
        tpu.vector_store_idx %arg29[%add3A_156, %broadcast_in_dim3A_302], %select_n3A_305 : memref<128x8xi32, #tpu.memory_space<vmem>>[vector<16xi32>, vector<16xi32>], vector<16xi32>,
        %jit3A_306 = arith.constant -1.000000e+00 : f32
        %broadcast_in_dim3A_307 = vector.broadcast %jit3A_306 : f32 to vector<16xf32>
        %select_n3A_308 = arith.select %lt3A_285, %bitcast_convert_type3A_293, %broadcast_in_dim3A_307 : vector<16xi1>, vector<16xf32>
        tpu.vector_store_idx %arg30[%add3A_156, %broadcast_in_dim3A_302], %select_n3A_308 : memref<128x8xf32, #tpu.memory_space<vmem>>[vector<16xi32>, vector<16xi32>], vector<16xf32>,
        %jit3A_309 = arith.constant -1.000000e+00 : f32
        %broadcast_in_dim3A_310 = vector.broadcast %jit3A_309 : f32 to vector<16xf32>
        %select_n3A_311 = arith.select %lt3A_285, %add3A_300, %broadcast_in_dim3A_310 : vector<16xi1>, vector<16xf32>
        tpu.vector_store_idx %arg31[%add3A_156, %broadcast_in_dim3A_302], %select_n3A_311 : memref<128x8xf32, #tpu.memory_space<vmem>>[vector<16xi32>, vector<16xi32>], vector<16xf32>,
        %get3A_312 = arith.index_cast %add3A_154 : i32 to index
        %get3A_313 = tpu.vector_load %arg26[%get3A_312] {strides = array<i32>} : memref<2048xf32, #tpu.memory_space<vmem>>, vector<16xf32>,
        %lt3A_314 = arith.constant 0x7F800000 : f32
        %lt3A_315 = vector.broadcast %lt3A_314 : f32 to vector<16xf32>
        %lt3A_316 = arith.cmpf olt, %get3A_313, %lt3A_315 : vector<16xf32>
        %bitcast_convert_type3A_317 = tpu.bitcast %get3A_313 : vector<16xf32> -> vector<16xi32>
        %and3A_318 = arith.constant 8191 : i32
        %and3A_319 = vector.broadcast %and3A_318 : i32 to vector<16xi32>
        %and3A_320 = arith.andi %bitcast_convert_type3A_317, %and3A_319 : vector<16xi32>
        %and3A_321 = arith.constant -8192 : i32
        %and3A_322 = vector.broadcast %and3A_321 : i32 to vector<16xi32>
        %and3A_323 = arith.andi %bitcast_convert_type3A_317, %and3A_322 : vector<16xi32>
        %bitcast_convert_type3A_324 = tpu.bitcast %and3A_323 : vector<16xi32> -> vector<16xf32>
        %gather3A_325 = tpu.vector_load_idx %arg9[%and3A_320] : memref<5120xf32, #tpu.memory_space<vmem>>[vector<16xi32>], vector<16xf32>,
        %gather3A_326 = tpu.vector_load_idx %arg10[%and3A_320] : memref<5120xf32, #tpu.memory_space<vmem>>[vector<16xi32>], vector<16xf32>,
        %sub3A_327 = arith.subf %add3A_163, %gather3A_325 : vector<16xf32>
        %sub3A_328 = arith.subf %add3A_91, %gather3A_326 : vector<16xf32>
        %mul3A_329 = arith.mulf %sub3A_327, %sub3A_327 : vector<16xf32>
        %mul3A_330 = arith.mulf %sub3A_328, %sub3A_328 : vector<16xf32>
        %add3A_331 = arith.addf %mul3A_329, %mul3A_330 : vector<16xf32>
        %broadcast_in_dim3A_332 = arith.constant 5 : i32
        %broadcast_in_dim3A_333 = vector.broadcast %broadcast_in_dim3A_332 : i32 to vector<16xi32>
        %jit3A_334 = arith.constant -1 : i32
        %broadcast_in_dim3A_335 = vector.broadcast %jit3A_334 : i32 to vector<16xi32>
        %select_n3A_336 = arith.select %lt3A_316, %and3A_320, %broadcast_in_dim3A_335 : vector<16xi1>, vector<16xi32>
        tpu.vector_store_idx %arg29[%add3A_156, %broadcast_in_dim3A_333], %select_n3A_336 : memref<128x8xi32, #tpu.memory_space<vmem>>[vector<16xi32>, vector<16xi32>], vector<16xi32>,
        %jit3A_337 = arith.constant -1.000000e+00 : f32
        %broadcast_in_dim3A_338 = vector.broadcast %jit3A_337 : f32 to vector<16xf32>
        %select_n3A_339 = arith.select %lt3A_316, %bitcast_convert_type3A_324, %broadcast_in_dim3A_338 : vector<16xi1>, vector<16xf32>
        tpu.vector_store_idx %arg30[%add3A_156, %broadcast_in_dim3A_333], %select_n3A_339 : memref<128x8xf32, #tpu.memory_space<vmem>>[vector<16xi32>, vector<16xi32>], vector<16xf32>,
        %jit3A_340 = arith.constant -1.000000e+00 : f32
        %broadcast_in_dim3A_341 = vector.broadcast %jit3A_340 : f32 to vector<16xf32>
        %select_n3A_342 = arith.select %lt3A_316, %add3A_331, %broadcast_in_dim3A_341 : vector<16xi1>, vector<16xf32>
        tpu.vector_store_idx %arg31[%add3A_156, %broadcast_in_dim3A_333], %select_n3A_342 : memref<128x8xf32, #tpu.memory_space<vmem>>[vector<16xi32>, vector<16xi32>], vector<16xf32>,
        %get3A_343 = arith.index_cast %add3A_154 : i32 to index
        %get3A_344 = tpu.vector_load %arg27[%get3A_343] {strides = array<i32>} : memref<2048xf32, #tpu.memory_space<vmem>>, vector<16xf32>,
        %lt3A_345 = arith.constant 0x7F800000 : f32
        %lt3A_346 = vector.broadcast %lt3A_345 : f32 to vector<16xf32>
        %lt3A_347 = arith.cmpf olt, %get3A_344, %lt3A_346 : vector<16xf32>
        %bitcast_convert_type3A_348 = tpu.bitcast %get3A_344 : vector<16xf32> -> vector<16xi32>
        %and3A_349 = arith.constant 8191 : i32
        %and3A_350 = vector.broadcast %and3A_349 : i32 to vector<16xi32>
        %and3A_351 = arith.andi %bitcast_convert_type3A_348, %and3A_350 : vector<16xi32>
        %and3A_352 = arith.constant -8192 : i32
        %and3A_353 = vector.broadcast %and3A_352 : i32 to vector<16xi32>
        %and3A_354 = arith.andi %bitcast_convert_type3A_348, %and3A_353 : vector<16xi32>
        %bitcast_convert_type3A_355 = tpu.bitcast %and3A_354 : vector<16xi32> -> vector<16xf32>
        %gather3A_356 = tpu.vector_load_idx %arg9[%and3A_351] : memref<5120xf32, #tpu.memory_space<vmem>>[vector<16xi32>], vector<16xf32>,
        %gather3A_357 = tpu.vector_load_idx %arg10[%and3A_351] : memref<5120xf32, #tpu.memory_space<vmem>>[vector<16xi32>], vector<16xf32>,
        %sub3A_358 = arith.subf %add3A_163, %gather3A_356 : vector<16xf32>
        %sub3A_359 = arith.subf %add3A_91, %gather3A_357 : vector<16xf32>
        %mul3A_360 = arith.mulf %sub3A_358, %sub3A_358 : vector<16xf32>
        %mul3A_361 = arith.mulf %sub3A_359, %sub3A_359 : vector<16xf32>
        %add3A_362 = arith.addf %mul3A_360, %mul3A_361 : vector<16xf32>
        %broadcast_in_dim3A_363 = arith.constant 6 : i32
        %broadcast_in_dim3A_364 = vector.broadcast %broadcast_in_dim3A_363 : i32 to vector<16xi32>
        %jit3A_365 = arith.constant -1 : i32
        %broadcast_in_dim3A_366 = vector.broadcast %jit3A_365 : i32 to vector<16xi32>
        %select_n3A_367 = arith.select %lt3A_347, %and3A_351, %broadcast_in_dim3A_366 : vector<16xi1>, vector<16xi32>
        tpu.vector_store_idx %arg29[%add3A_156, %broadcast_in_dim3A_364], %select_n3A_367 : memref<128x8xi32, #tpu.memory_space<vmem>>[vector<16xi32>, vector<16xi32>], vector<16xi32>,
        %jit3A_368 = arith.constant -1.000000e+00 : f32
        %broadcast_in_dim3A_369 = vector.broadcast %jit3A_368 : f32 to vector<16xf32>
        %select_n3A_370 = arith.select %lt3A_347, %bitcast_convert_type3A_355, %broadcast_in_dim3A_369 : vector<16xi1>, vector<16xf32>
        tpu.vector_store_idx %arg30[%add3A_156, %broadcast_in_dim3A_364], %select_n3A_370 : memref<128x8xf32, #tpu.memory_space<vmem>>[vector<16xi32>, vector<16xi32>], vector<16xf32>,
        %jit3A_371 = arith.constant -1.000000e+00 : f32
        %broadcast_in_dim3A_372 = vector.broadcast %jit3A_371 : f32 to vector<16xf32>
        %select_n3A_373 = arith.select %lt3A_347, %add3A_362, %broadcast_in_dim3A_372 : vector<16xi1>, vector<16xf32>
        tpu.vector_store_idx %arg31[%add3A_156, %broadcast_in_dim3A_364], %select_n3A_373 : memref<128x8xf32, #tpu.memory_space<vmem>>[vector<16xi32>, vector<16xi32>], vector<16xf32>,
        %get3A_374 = arith.index_cast %add3A_154 : i32 to index
        %get3A_375 = tpu.vector_load %arg28[%get3A_374] {strides = array<i32>} : memref<2048xf32, #tpu.memory_space<vmem>>, vector<16xf32>,
        %lt3A_376 = arith.constant 0x7F800000 : f32
        %lt3A_377 = vector.broadcast %lt3A_376 : f32 to vector<16xf32>
        %lt3A_378 = arith.cmpf olt, %get3A_375, %lt3A_377 : vector<16xf32>
        %bitcast_convert_type3A_379 = tpu.bitcast %get3A_375 : vector<16xf32> -> vector<16xi32>
        %and3A_380 = arith.constant 8191 : i32
        %and3A_381 = vector.broadcast %and3A_380 : i32 to vector<16xi32>
        %and3A_382 = arith.andi %bitcast_convert_type3A_379, %and3A_381 : vector<16xi32>
        %and3A_383 = arith.constant -8192 : i32
        %and3A_384 = vector.broadcast %and3A_383 : i32 to vector<16xi32>
        %and3A_385 = arith.andi %bitcast_convert_type3A_379, %and3A_384 : vector<16xi32>
        %bitcast_convert_type3A_386 = tpu.bitcast %and3A_385 : vector<16xi32> -> vector<16xf32>
        %gather3A_387 = tpu.vector_load_idx %arg9[%and3A_382] : memref<5120xf32, #tpu.memory_space<vmem>>[vector<16xi32>], vector<16xf32>,
        %gather3A_388 = tpu.vector_load_idx %arg10[%and3A_382] : memref<5120xf32, #tpu.memory_space<vmem>>[vector<16xi32>], vector<16xf32>,
        %sub3A_389 = arith.subf %add3A_163, %gather3A_387 : vector<16xf32>
        %sub3A_390 = arith.subf %add3A_91, %gather3A_388 : vector<16xf32>
        %mul3A_391 = arith.mulf %sub3A_389, %sub3A_389 : vector<16xf32>
        %mul3A_392 = arith.mulf %sub3A_390, %sub3A_390 : vector<16xf32>
        %add3A_393 = arith.addf %mul3A_391, %mul3A_392 : vector<16xf32>
        %broadcast_in_dim3A_394 = arith.constant 7 : i32
        %broadcast_in_dim3A_395 = vector.broadcast %broadcast_in_dim3A_394 : i32 to vector<16xi32>
        %jit3A_396 = arith.constant -1 : i32
        %broadcast_in_dim3A_397 = vector.broadcast %jit3A_396 : i32 to vector<16xi32>
        %select_n3A_398 = arith.select %lt3A_378, %and3A_382, %broadcast_in_dim3A_397 : vector<16xi1>, vector<16xi32>
        tpu.vector_store_idx %arg29[%add3A_156, %broadcast_in_dim3A_395], %select_n3A_398 : memref<128x8xi32, #tpu.memory_space<vmem>>[vector<16xi32>, vector<16xi32>], vector<16xi32>,
        %jit3A_399 = arith.constant -1.000000e+00 : f32
        %broadcast_in_dim3A_400 = vector.broadcast %jit3A_399 : f32 to vector<16xf32>
        %select_n3A_401 = arith.select %lt3A_378, %bitcast_convert_type3A_386, %broadcast_in_dim3A_400 : vector<16xi1>, vector<16xf32>
        tpu.vector_store_idx %arg30[%add3A_156, %broadcast_in_dim3A_395], %select_n3A_401 : memref<128x8xf32, #tpu.memory_space<vmem>>[vector<16xi32>, vector<16xi32>], vector<16xf32>,
        %jit3A_402 = arith.constant -1.000000e+00 : f32
        %broadcast_in_dim3A_403 = vector.broadcast %jit3A_402 : f32 to vector<16xf32>
        %select_n3A_404 = arith.select %lt3A_378, %add3A_393, %broadcast_in_dim3A_403 : vector<16xi1>, vector<16xf32>
        tpu.vector_store_idx %arg31[%add3A_156, %broadcast_in_dim3A_395], %select_n3A_404 : memref<128x8xf32, #tpu.memory_space<vmem>>[vector<16xi32>, vector<16xi32>], vector<16xf32>,
        %scan3A_405 = arith.constant 0 : i32
        scf.yield %scan3A_405 : i32
      }
      %scan3A_98 = arith.constant 8 : i32
      %dma_start3A_99 = arith.constant 0 : i32
      %dma_start3A_100 = arith.constant 0 : i32
      %dma_start3A_101 = tpu.memref_slice %arg6[%shift_right_arithmetic3A_1, %add3A_84, %dma_start3A_99, %dma_start3A_100] : memref<4x128x128x8xi32, #tpu.memory_space<hbm>> -> memref<1x1x128x8xi32, #tpu.memory_space<hbm>>
      %dma_start3A_102 = tpu.memref_squeeze %dma_start3A_101 : memref<1x1x128x8xi32, #tpu.memory_space<hbm>> -> memref<128x8xi32, #tpu.memory_space<hbm>>
      %dma_start3A_103 = arith.constant 0 : i32
      %dma_start3A_104 = arith.constant 0 : i32
      %dma_start3A_105 = tpu.memref_slice %arg6[%shift_right_arithmetic3A_1, %add3A_84, %dma_start3A_103, %dma_start3A_104] : memref<4x128x128x8xi32, #tpu.memory_space<hbm>> -> memref<1x1x128x8xi32, #tpu.memory_space<hbm>>
      %dma_start3A_106 = tpu.memref_squeeze %dma_start3A_105 : memref<1x1x128x8xi32, #tpu.memory_space<hbm>> -> memref<128x8xi32, #tpu.memory_space<hbm>>
      tpu.enqueue_dma source(%arg29 : memref<128x8xi32, #tpu.memory_space<vmem>>) target(%dma_start3A_106 : memref<128x8xi32, #tpu.memory_space<hbm>>) target_semaphore(%arg32 : memref<!tpu.dma_semaphore, #tpu.memory_space<semaphore_mem>>)
      %dma_start3A_107 = arith.constant 0 : i32
      %dma_start3A_108 = arith.constant 0 : i32
      %dma_start3A_109 = tpu.memref_slice %arg7[%shift_right_arithmetic3A_1, %add3A_84, %dma_start3A_107, %dma_start3A_108] : memref<4x128x128x8xf32, #tpu.memory_space<hbm>> -> memref<1x1x128x8xf32, #tpu.memory_space<hbm>>
      %dma_start3A_110 = tpu.memref_squeeze %dma_start3A_109 : memref<1x1x128x8xf32, #tpu.memory_space<hbm>> -> memref<128x8xf32, #tpu.memory_space<hbm>>
      %dma_start3A_111 = arith.constant 0 : i32
      %dma_start3A_112 = arith.constant 0 : i32
      %dma_start3A_113 = tpu.memref_slice %arg7[%shift_right_arithmetic3A_1, %add3A_84, %dma_start3A_111, %dma_start3A_112] : memref<4x128x128x8xf32, #tpu.memory_space<hbm>> -> memref<1x1x128x8xf32, #tpu.memory_space<hbm>>
      %dma_start3A_114 = tpu.memref_squeeze %dma_start3A_113 : memref<1x1x128x8xf32, #tpu.memory_space<hbm>> -> memref<128x8xf32, #tpu.memory_space<hbm>>
      tpu.enqueue_dma source(%arg30 : memref<128x8xf32, #tpu.memory_space<vmem>>) target(%dma_start3A_114 : memref<128x8xf32, #tpu.memory_space<hbm>>) target_semaphore(%arg32 : memref<!tpu.dma_semaphore, #tpu.memory_space<semaphore_mem>>)
      %dma_start3A_115 = arith.constant 0 : i32
      %dma_start3A_116 = arith.constant 0 : i32
      %dma_start3A_117 = tpu.memref_slice %arg8[%shift_right_arithmetic3A_1, %add3A_84, %dma_start3A_115, %dma_start3A_116] : memref<4x128x128x8xf32, #tpu.memory_space<hbm>> -> memref<1x1x128x8xf32, #tpu.memory_space<hbm>>
      %dma_start3A_118 = tpu.memref_squeeze %dma_start3A_117 : memref<1x1x128x8xf32, #tpu.memory_space<hbm>> -> memref<128x8xf32, #tpu.memory_space<hbm>>
      %dma_start3A_119 = arith.constant 0 : i32
      %dma_start3A_120 = arith.constant 0 : i32
      %dma_start3A_121 = tpu.memref_slice %arg8[%shift_right_arithmetic3A_1, %add3A_84, %dma_start3A_119, %dma_start3A_120] : memref<4x128x128x8xf32, #tpu.memory_space<hbm>> -> memref<1x1x128x8xf32, #tpu.memory_space<hbm>>
      %dma_start3A_122 = tpu.memref_squeeze %dma_start3A_121 : memref<1x1x128x8xf32, #tpu.memory_space<hbm>> -> memref<128x8xf32, #tpu.memory_space<hbm>>
      tpu.enqueue_dma source(%arg31 : memref<128x8xf32, #tpu.memory_space<vmem>>) target(%dma_start3A_122 : memref<128x8xf32, #tpu.memory_space<hbm>>) target_semaphore(%arg32 : memref<!tpu.dma_semaphore, #tpu.memory_space<semaphore_mem>>)
      %dma_wait3A_123 = arith.constant 0 : i32
      %dma_wait3A_124 = arith.constant 0 : i32
      %dma_wait3A_125 = tpu.memref_slice %arg6[%shift_right_arithmetic3A_1, %add3A_84, %dma_wait3A_123, %dma_wait3A_124] : memref<4x128x128x8xi32, #tpu.memory_space<hbm>> -> memref<1x1x128x8xi32, #tpu.memory_space<hbm>>
      %dma_wait3A_126 = tpu.memref_squeeze %dma_wait3A_125 : memref<1x1x128x8xi32, #tpu.memory_space<hbm>> -> memref<128x8xi32, #tpu.memory_space<hbm>>
      %dma_wait3A_127 = arith.constant 0 : i32
      %dma_wait3A_128 = arith.constant 0 : i32
      %dma_wait3A_129 = tpu.memref_slice %arg6[%shift_right_arithmetic3A_1, %add3A_84, %dma_wait3A_127, %dma_wait3A_128] : memref<4x128x128x8xi32, #tpu.memory_space<hbm>> -> memref<1x1x128x8xi32, #tpu.memory_space<hbm>>
      %dma_wait3A_130 = tpu.memref_squeeze %dma_wait3A_129 : memref<1x1x128x8xi32, #tpu.memory_space<hbm>> -> memref<128x8xi32, #tpu.memory_space<hbm>>
      tpu.wait_dma2 semaphore(%arg32 : memref<!tpu.dma_semaphore, #tpu.memory_space<semaphore_mem>>) src(%arg29 : memref<128x8xi32, #tpu.memory_space<vmem>>) dst(%dma_wait3A_130 : memref<128x8xi32, #tpu.memory_space<hbm>>)
      %dma_wait3A_131 = arith.constant 0 : i32
      %dma_wait3A_132 = arith.constant 0 : i32
      %dma_wait3A_133 = tpu.memref_slice %arg7[%shift_right_arithmetic3A_1, %add3A_84, %dma_wait3A_131, %dma_wait3A_132] : memref<4x128x128x8xf32, #tpu.memory_space<hbm>> -> memref<1x1x128x8xf32, #tpu.memory_space<hbm>>
      %dma_wait3A_134 = tpu.memref_squeeze %dma_wait3A_133 : memref<1x1x128x8xf32, #tpu.memory_space<hbm>> -> memref<128x8xf32, #tpu.memory_space<hbm>>
      %dma_wait3A_135 = arith.constant 0 : i32
      %dma_wait3A_136 = arith.constant 0 : i32
      %dma_wait3A_137 = tpu.memref_slice %arg7[%shift_right_arithmetic3A_1, %add3A_84, %dma_wait3A_135, %dma_wait3A_136] : memref<4x128x128x8xf32, #tpu.memory_space<hbm>> -> memref<1x1x128x8xf32, #tpu.memory_space<hbm>>
      %dma_wait3A_138 = tpu.memref_squeeze %dma_wait3A_137 : memref<1x1x128x8xf32, #tpu.memory_space<hbm>> -> memref<128x8xf32, #tpu.memory_space<hbm>>
      tpu.wait_dma2 semaphore(%arg32 : memref<!tpu.dma_semaphore, #tpu.memory_space<semaphore_mem>>) src(%arg30 : memref<128x8xf32, #tpu.memory_space<vmem>>) dst(%dma_wait3A_138 : memref<128x8xf32, #tpu.memory_space<hbm>>)
      %dma_wait3A_139 = arith.constant 0 : i32
      %dma_wait3A_140 = arith.constant 0 : i32
      %dma_wait3A_141 = tpu.memref_slice %arg8[%shift_right_arithmetic3A_1, %add3A_84, %dma_wait3A_139, %dma_wait3A_140] : memref<4x128x128x8xf32, #tpu.memory_space<hbm>> -> memref<1x1x128x8xf32, #tpu.memory_space<hbm>>
      %dma_wait3A_142 = tpu.memref_squeeze %dma_wait3A_141 : memref<1x1x128x8xf32, #tpu.memory_space<hbm>> -> memref<128x8xf32, #tpu.memory_space<hbm>>
      %dma_wait3A_143 = arith.constant 0 : i32
      %dma_wait3A_144 = arith.constant 0 : i32
      %dma_wait3A_145 = tpu.memref_slice %arg8[%shift_right_arithmetic3A_1, %add3A_84, %dma_wait3A_143, %dma_wait3A_144] : memref<4x128x128x8xf32, #tpu.memory_space<hbm>> -> memref<1x1x128x8xf32, #tpu.memory_space<hbm>>
      %dma_wait3A_146 = tpu.memref_squeeze %dma_wait3A_145 : memref<1x1x128x8xf32, #tpu.memory_space<hbm>> -> memref<128x8xf32, #tpu.memory_space<hbm>>
      tpu.wait_dma2 semaphore(%arg32 : memref<!tpu.dma_semaphore, #tpu.memory_space<semaphore_mem>>) src(%arg31 : memref<128x8xf32, #tpu.memory_space<vmem>>) dst(%dma_wait3A_146 : memref<128x8xf32, #tpu.memory_space<hbm>>)
      %scan3A_147 = arith.constant 0 : i32
      scf.yield %scan3A_147 : i32
    }
    %scan3A_79 = arith.constant 16 : i32
    return
  }
}

</mosaic_0001>

<sc_bundles>
// kernel: kernel.3.cloned.1.call-start
scs
__scs_entry_jumppad:
0x0: {  	(pc) =	sbr.rel $0x88, $3  }
0x1: {  	(tag) =	ssettag $0x0;
	lr =	simm.s32 $0x1  }
0x2: {  	[smem:$0x3F9D] =	sst lr;
	_ =	strace $0xD0000000  }
0x3: {  	_ = 	snop  }
0x4: {  	_ = 	snop  }
0x5: {  	_ = 	snop  }
0x6: {  	_ = 	snop  }
0x7: {  	_ = 	snop  }
__scs_overlays_trampoline_lowered:
0x8: {  	[smem:$0x3FAC] =	sst s0  }
0x9: {  	[smem:$0x3FAD] =	sst s1  }
0xa: {  	[smem:$0x3FAE] =	sst s2  }
0xb: {  	[smem:$0x3FAF] =	sst s3  }
0xc: {  	[smem:$0x3FB0] =	sst s4  }
0xd: {  	[smem:$0x3FB1] =	sst s5  }
0xe: {  	[smem:$0x3FB2] =	sst s6  }
0xf: {  	[smem:$0x3FB3] =	sst s7  }
0x10: {  	[smem:$0x3FB4] =	sst s8  }
0x11: {  	[smem:$0x3FB5] =	sst s9;
	s0 =	simm.s32 @!p0 $0x0  }
0x12: {  	s1 =	sld [smem:$0x3F9B];
	s0 =	simm.s32 @p0 $0x1  }
0x13: {  	[smem:$0x3FB6] =	sst s0;
	s0 =	simm.s32 @!p1 $0x0  }
0x14: {  	s2 =	sld [smem:$0x3F9A];
	s0 =	simm.s32 @p1 $0x1  }
0x15: {  	[smem:$0x3FB7] =	sst s0;
	s0 =	simm.s32 @!p2 $0x0  }
0x16: {  	s3 =	sld [smem:$0x3FDB];
	s0 =	simm.s32 @p2 $0x1  }
0x17: {  	s4 =	simm.s32 $0x1BF5;
	[smem:$0x3FB9] =	sst s0  }
0x18: {  	s0 =	sld [smem:$0x3F9C];
	_ =	swait.ge [sflag:s4], $0x0  }
0x19: {  	s7 =	sld [smem:$0x3F9D]  }
0x1a: {  	s8 =	sadd.s32 $0xFFFFE003, lr  }
0x1b: {  	s9 =	sadd.s32 $0xFFFFFEF7, lr;
	s5 =	simm.s32 $0xFFFFFFFF;
	p2 =	slt.u32 s8, $0xFFFFF086  }
0x1c: {  	p1 =	slt.u32 s9, $0xF7A;
	s5 =	simm.s32 @!p2 $0x0  }
0x1d: {  	s5 =	simm.s32 @p1 $0x1;
	p0 =	seq.s32 s7, s2  }
0x1e: {  	s7 =	smul.u32 @!p0 $0xF7A, s2;
	p2 =	seq.s32 @!p0 s5, $0x0  }
0x1f: {  	s9 =	smul.u32 $0xF7A, s1;
	s8 =	simm.s32 @!p0 $0x1BF5;
	p2 =	por !p2, p0  }
0x20: {  	[sflag:s8] =	ssyncset.s32 @!p0 $0xFFFFF086;
	s6 =	sadd.s32 @!p0 s3, s7;
	s7 =	simm.s32 @!p0 $0x108  }
0x21: {  	s3 =	sadd.s32 s3, s9;
	s6 =	sadd.s32 @!p0 $0x88, s6;
	s7 =	simm.s32 @p2 $0x1082  }
0x22: {  	[simem:s7], [sflag:s8] =	dma.local @!p0 [hbm:s6], $0xF7A  }
0x23: {  	s9 =	sor.u32 $0xD0000000, s2;
	s6 =	simm.s32 $0x108;
	_ =	swait.ge @!p0 [sflag:s8], $0x0  }
0x24: {  	s3 =	sadd.s32 $0x88, s3;
	s6 =	simm.s32 @!p1 $0x1082;
	[sflag:s4] =	ssyncset.s32 $0xFFFFF086  }
0x25: {  	[simem:s6], [sflag:s4] =	dma.local [hbm:s3], $0xF7A  }
0x26: {  	[smem:$0x3F9D] =	sst s1;
	(tag) =	ssettag s2;
	_ =	strace s9  }
0x27: {  	s1 =	sld [smem:$0x3FAD]  }
0x28: {  	s2 =	sld [smem:$0x3FAE]  }
0x29: {  	s4 =	sld [smem:$0x3FB0]  }
0x2a: {  	p0 =	seq.s32 s5, $0x0;
	s5 =	sld [smem:$0x3FB1]  }
0x2b: {  	s6 =	sld [smem:$0x3FB2]  }
0x2c: {  	s7 =	sld [smem:$0x3FB3]  }
0x2d: {  	s3 =	simm.s32 $0x108;
	s8 =	sld [smem:$0x3FB4]  }
0x2e: {  	s3 =	simm.s32 @!p0 $0x1082;
	s9 =	sld [smem:$0x3FB5]  }
0x2f: {  	lr =	sadd.s32 s0, s3;
	s0 =	sld [smem:$0x3FAC]  }
0x30: {  	s3 =	sld [smem:$0x3FAF]  }
0x31: {  	[smem:$0x3FB8] =	sst s10  }
0x32: {  	s10 =	sld [smem:$0x3FB6];
	_ =	sdelay $0x3  }
0x33: {  	p0 =	seq.s32 s10, $0x1;
	s10 =	sld [smem:$0x3FB8];
	_ =	sdelay $0x3  }
0x34: {  	[smem:$0x3FB8] =	sst s10  }
0x35: {  	s10 =	sld [smem:$0x3FB7];
	_ =	sdelay $0x3  }
0x36: {  	p1 =	seq.s32 s10, $0x1;
	s10 =	sld [smem:$0x3FB8];
	_ =	sdelay $0x3  }
0x37: {  	[smem:$0x3FB8] =	sst s10  }
0x38: {  	s10 =	sld [smem:$0x3FB9]  }
0x39: {  	_ = 	snop;
	(pc) =	sbr.ind lr, $3  }
0x3a: {  	_ = 	snop  }
0x3b: {  	_ = 	snop  }
0x3c: {  	p2 =	seq.s32 s10, $0x1;
	s10 =	sld [smem:$0x3FB8]  }
0x3d: {  	_ =	shalt  }
0x3e: {  	_ =	shalt  }
0x3f: {  	_ =	shalt  }
0x40: {  	_ =	shalt  }
0x41: {  	_ =	shalt  }
0x42: {  	_ =	shalt  }
0x43: {  	_ =	shalt  }
0x44: {  	_ =	shalt  }
0x45: {  	_ =	shalt  }
0x46: {  	_ =	shalt  }
0x47: {  	_ =	shalt  }
0x48: {  	_ =	shalt  }
0x49: {  	_ =	shalt  }
0x4a: {  	_ =	shalt  }
0x4b: {  	_ =	shalt  }
0x4c: {  	_ =	shalt  }
0x4d: {  	_ =	shalt  }
0x4e: {  	_ =	shalt  }
0x4f: {  	_ =	shalt  }
0x50: {  	_ =	shalt  }
0x51: {  	_ =	shalt  }
0x52: {  	_ =	shalt  }
0x53: {  	_ =	shalt  }
0x54: {  	_ =	shalt  }
0x55: {  	_ =	shalt  }
0x56: {  	_ =	shalt  }
0x57: {  	_ =	shalt  }
0x58: {  	_ =	shalt  }
0x59: {  	_ =	shalt  }
0x5a: {  	_ =	shalt  }
0x5b: {  	_ =	shalt  }
0x5c: {  	_ =	shalt  }
0x5d: {  	_ =	shalt  }
0x5e: {  	_ =	shalt  }
0x5f: {  	_ =	shalt  }
0x60: {  	_ =	shalt  }
0x61: {  	_ =	shalt  }
0x62: {  	_ =	shalt  }
0x63: {  	_ =	shalt  }
0x64: {  	_ =	shalt  }
0x65: {  	_ =	shalt  }
0x66: {  	_ =	shalt  }
0x67: {  	_ =	shalt  }
0x68: {  	_ =	shalt  }
0x69: {  	_ =	shalt  }
0x6a: {  	_ =	shalt  }
0x6b: {  	_ =	shalt  }
0x6c: {  	_ =	shalt  }
0x6d: {  	_ =	shalt  }
0x6e: {  	_ =	shalt  }
0x6f: {  	_ =	shalt  }
0x70: {  	_ =	shalt  }
0x71: {  	_ =	shalt  }
0x72: {  	_ =	shalt  }
0x73: {  	_ =	shalt  }
0x74: {  	_ =	shalt  }
0x75: {  	_ =	shalt  }
0x76: {  	_ =	shalt  }
0x77: {  	_ =	shalt  }
0x78: {  	_ =	shalt  }
0x79: {  	_ =	shalt  }
0x7a: {  	_ =	shalt  }
0x7b: {  	_ =	shalt  }
0x7c: {  	_ =	shalt  }
0x7d: {  	_ =	shalt  }
0x7e: {  	_ =	shalt  }
0x7f: {  	_ =	shalt  }
0x80: {  	_ =	shalt  }
0x81: {  	_ =	shalt  }
0x82: {  	_ =	shalt  }
0x83: {  	_ =	shalt  }
0x84: {  	_ =	shalt  }
0x85: {  	_ =	shalt  }
0x86: {  	_ =	shalt  }
0x87: {  	_ =	shalt  }
.Lfunc_end0:
.L_simem_size_0:
called_computation_lowered:
.L_overlay_start_0:
0x88: {  	s2 =	sld [smem:$0x3FD9]  }
0x89: {  	s3 =	sld [smem:$0x3FFE];
	_ =	sdelay $0x1  }
0x8a: {  	s1 =	srdreg.scid  }
0x8b: {  	s0 =	sand.u32 $0x1, s1  }
0x8c: {  	s14 =	sshll.u32 s0, $0xA;
	s2 =	sadd.s32 s3, s2  }
0x8d: {  	s2 =	sadd.s32 s2, s14  }
0x8e: {  	[smem:$0x3FC4] =	sst s2  }
0x8f: {  	_ = 	snop  }
0x90: {  	s2 =	sld [smem:$0x3FD0];
	_ =	sdelay $0x2  }
0x91: {  	s15 =	simm.s32 $0xA;
	s4 =	simm.s32 $0x10  }
0x92: {  	[smem:s4], [sflag:s15] =	dma.local [hbm:s2], $0x1  }
0x93: {  	_ =	swait.eq [sflag:s15], $0x1  }
0x94: {  	s16 =	sld [smem:$0x10];
	[sflag:s15] =	ssyncset.done $0x0  }
0x95: {  	s17 =	sld [smem:$0x11];
	[sflag:s15] =	ssyncadd.s32 $0xFFFFFFFF  }
0x96: {  	s18 =	sld [smem:$0x12];
	(tm) =	ssettm $0x1  }
0x97: {  	s5 =	sld [smem:$0x3FFB];
	_ =	sdelay $0x3  }
0x98: {  	_ =	strace s5  }
0x99: {  	s5 =	sld [smem:$0x3FFC];
	_ =	sdelay $0x3  }
0x9a: {  	_ =	strace s5  }
0x9b: {  	s5 =	sld [smem:$0x3FFD];
	_ =	sdelay $0x3  }
0x9c: {  	_ =	strace s5  }
0x9d: {  	_ =	strace $0x8FFFFFFF  }
0x9e: {  	s19 =	sld [smem:$0x3FDB];
	_ =	sdelay $0x1  }
0x9f: {  	s6 =	simm.s32 $_scs_section_size  }
0xa0: {  	s7 =	simm.s32 $_size__tile_overlayer_lowered;
	s8 =	simm.s32 $_tile_overlayer_lowered  }
0xa1: {  	s22 =	simm.s32 $0x1BFF;
	s21 =	sshll.u32 s8, $0x1;
	s5 =	sadd.s32 s6, s19  }
0xa2: {  	s9 =	simm.s32 $0x0;
	s20 =	sshll.u32 s7, $0x1;
	s7 =	sadd.s32 s21, s5  }
0xa3: {  	[timem:s9], [sflag:s22] =	dma.local [hbm:s7], s20  }
0xa4: {  	_ =	swait.ge [sflag:s22], s20  }
0xa5: {  	s6 =	ssub.s32 $0x0, s20;
	[sflag:s22] =	ssyncset.done $0x0  }
0xa6: {  	[sflag:s22] =	ssyncadd.s32 s6;
	_ =	sdelay $0x1  }
0xa7: {  	s23 =	simm.s32 $0x1B8B  }
0xa8: {  	_ =	swait.ge [sflag:s23], $0x1  }
0xa9: {  	[sflag:s23] =	ssyncset.done $0x0  }
0xaa: {  	s25 =	simm.s32 $0x1B8E;
	s24 =	sld [smem:$0x3FFE];
	[sflag:s23] =	ssyncadd.s32 $0xFFFFFFFF  }
0xab: {  	s26 =	simm.s32 $execute0_lowered;
	[smem:$0x3FD2] =	sst s25  }
0xac: {  	s7 =	sshll.u32 s26, $0x1;
	_ =	strace $0x80000046;
	[dreg:$0x1] =	wrdreg $0xFFFFFFFF  }
0xad: {  	s28 =	simm.s32 $_size_execute0_lowered;
	s5 =	sadd.s32 s5, s7;
	[dreg:$0x0] =	wrdreg $0x0  }
0xae: {  	s7 =	sshll.u32 s28, $0x1;
	[dreg:$0x2] =	wrdreg s5  }
0xaf: {  	[dreg:$0x3] =	wrdreg s7  }
0xb0: {  	[dreg:$0x4] =	wrdreg $0xC0  }
0xb1: {  	_ =	task [dreg:s9], $0x5FFFF  }
0xb2: {  	[dreg:$0x1] =	wrdreg $0xFFFFFFFF  }
0xb3: {  	[dreg:$0x0] =	wrdreg $0x60  }
0xb4: {  	[dreg:$0x2] =	wrdreg s18  }
0xb5: {  	[dreg:$0x3] =	wrdreg s17  }
0xb6: {  	[dreg:$0x4] =	wrdreg s16  }
0xb7: {  	[dreg:$0x5] =	wrdreg s24  }
0xb8: {  	[dreg:$0x6] =	wrdreg $0x9  }
0xb9: {  	_ =	task.clear_ibuf [dreg:s9], $0x7FFFF;
	_ =	strace $0x90000046  }
0xba: {  	s29 =	simm.s32 $0x9;
	_ =	strace $0x80000048  }
0xbb: {  	_ =	swait.ge [sflag:s29], $0x1  }
0xbc: {  	[sflag:s29] =	ssyncadd.s32 $0xFFFFFFFF  }
0xbd: {  	_ =	strace $0x90000048  }
0xbe: {  	_ =	sfence  }
0xbf: {  	s30 =	sld [smem:$0x0];
	_ =	sdelay $0x2  }
0xc0: {  	s31 =	sshll.u32 s1, $0xD;
	s1 =	sshrl.u32 s1, $0x2  }
0xc1: {  	s3 =	sand.u32 $0x4000, s31;
	s1 =	sadd.s32 s1, s30  }
0xc2: {  	s0 =	sor.u32 s3, s0;
	s1 =	sshll.u32 s1, $0x11  }
0xc3: {  	s0 =	sor.u32 s1, s0  }
0xc4: {  	s0 =	sadd.s32 $0x8F2B, s0  }
0xc5: {  	[sflag:s0] =	ssyncadd.remote.s32 $0x1  }
0xc6: {  	_ =	sfence.sel $0xFFFF  }
0xc7: {  	[dreg:$0x0] =	wrdreg $0xFFFFFFFF;
	(pc) =	sbr.abs _section_cstart, $3  }
0xc8: {  	[dreg:$0x1] =	wrdreg $0xFFFFFFFF  }
0xc9: {  	_ =	task.clear_ibuf [dreg:s9], $0x2FFFF;
	_ =	strace $0x9FFFFFFF  }
0xca: {  	(tm) =	ssettm $0x7FFFFFFF  }
0xcb: {  	_ =	shalt  }
tec
execute0_lowered:
.L_overlay_start_1:
0x0: {  	(tag) =	ssettag $0x1  }
0x1: {  	s0 =	rddreg [dreg:$0x0]  }
0x2: {  	s1 =	rddreg [dreg:$0x1]  }
0x3: {  	s3 =	rddreg [dreg:$0x2]  }
0x4: {  	s4 =	rddreg [dreg:$0x3];
	s10 =	stileid.u32  }
0x5: {  	s2 =	simm.s32 $0x0;
	s7 =	srdreg.scid;
	s16 =	simm.s32 $0x5000  }
0x6: {  	s17 =	simm.s32 $0x6480;
	s18 =	simm.s32 $0x7900;
	s28 =	simm.s32 $0x10C00  }
0x7: {  	v0 =	vimm.f32 $1.500000000e+01;
	vm0 =	vcmask $0x300;
	s29 =	simm.s32 $0x11400;
	s30 =	simm.s32 $0x11C00;
	s31 =	simm.s32 $0x12400  }
0x8: {  	vm14 =	vcmask $0x704;
	s5 =	sshrl.u32 s10, $0x2;
	[smem:$0x7FF] =	sst s2;
	v0 =	vsel vm0, $0x0, v0;
	s7 =	sand.u32 $0x1, s7  }
0x9: {  	vm15 =	vcmask $0xB08;
	s9 =	sadd.s32 $0x1600, s4;
	s10 =	sshll.u32 s10, $0x1;
	s11 =	sadd.s32 $0x101600, s4;
	v0 =	vsel vm14, $0x3F800000, v0  }
0xa: {  	vm4 =	vcmask $0xF0C;
	s6 =	sshll.u32 s5, $0x4;
	_ =	strace $0x80000047;
	[dreg:$0x5] =	wrdreg s9;
	v0 =	vsel vm15, $0x40000000, v0  }
0xb: {  	vm5 =	vcmask $0x1310;
	s19 =	ssub.s32 $0x2, s7;
	[dreg:$0x6] =	wrdreg s11;
	s10 =	sand.u32 $0x6, s10;
	v0 =	vsel vm4, $0x40400000, v0  }
0xc: {  	vm6 =	vcmask $0x1714;
	s25 =	sshll.u32 s5, $0x12;
	s9 =	simm.s32 $0x1B400;
	s8 =	sadd.s32 s6, s4;
	v0 =	vsel vm5, $0x40800000, v0  }
0xd: {  	vm7 =	vcmask $0x1B18;
	s20 =	sshrl.u32 s19, $0x1;
	s4 =	sadd.s32 $0x201600, s4;
	[dreg:$0xd] =	wrdreg s25;
	v0 =	vsel vm6, $0x40A00000, v0  }
0xe: {  	vm8 =	vcmask $0x1F1C;
	s7 =	sor.u32 s7, s10;
	s0 =	sadd.s32 s0, s6;
	[dreg:$0x7] =	wrdreg s4;
	v0 =	vsel vm7, $0x40C00000, v0  }
0xf: {  	vm9 =	vcmask $0x2320;
	s22 =	sadd.s32 s1, s6;
	s23 =	sadd.s32 s3, s6;
	[dreg:$0x9] =	wrdreg s0;
	v0 =	vsel vm8, $0x40E00000, v0  }
0x10: {  	vm10 =	vcmask $0x2724;
	s25 =	simm.s32 $0xFC00;
	s1 =	simm.s32 $0x1400;
	[dreg:$0xa] =	wrdreg s22;
	v0 =	vsel vm9, $0x41000000, v0  }
0x11: {  	vm11 =	vcmask $0x2B28;
	s21 =	ssub.s32 s19, s20;
	[dreg:$0xb] =	wrdreg s23;
	s24 =	sadd.s32 $0xC00, s8;
	v0 =	vsel vm10, $0x41100000, v0  }
0x12: {  	vm12 =	vcmask $0x2F2C;
	s19 =	simm.s32 $0x8D80;
	s20 =	simm.s32 $0xA200;
	s22 =	simm.s32 $0xCB00;
	v0 =	vsel vm11, $0x41200000, v0  }
0x13: {  	vm13 =	vcmask $0x3330;
	s23 =	simm.s32 $0xDF80;
	[dreg:$0x8] =	wrdreg s7;
	s0 =	simm.s32 $0x12C00;
	v1 =	vsel vm12, $0x41300000, v0  }
0x14: {  	v3 =	vimm.f32 $+Inf;
	vm14 =	vcmask $0x3734;
	s8 =	simm.s32 $0x17400;
	s4 =	simm.s32 $0x0;
	[dreg:$0xc] =	wrdreg s24;
	v2 =	vsel vm13, $0x41400000, v1  }
0x15: {  	vm15 =	vcmask $0x3B38;
	s26 =	smax.u32 s21, $0x1;
	s21 =	simm.s32 $0xB680;
	s24 =	simm.s32 $0xF400;
	v0 =	vmov s7;
	v4 =	vsel vm14, $0x41500000, v2  }
0x16: {  	[dreg:$0xe] =	wrdreg s26;
	s26 =	simm.s32 $0x10400;
	s7 =	simm.s32 $0x13400;
	v1 =	vimm.s32 $0x0;
	v2 =	vlaneseq.u32;
	v4 =	vsel vm15, $0x41600000, v4  }
.LBB2_1:
0x17: {  	[dreg:$0xf] =	wrdreg s4  }
0x18: {  	s3 =	rddreg [dreg:$0x9];
	s5 =	simm.s32 $0x80;
	s6 =	simm.s32 $0x200  }
0x19: {  	[tilespmem:s2], [sflag:$0x1] =	stream.strided.gather [hbm4b:s3+s5], $0x1400, s6, s5, $0x38;
	[tilespmem:$0x1F400] =	vst v63  }
0x1a: {  	s4 =	rddreg [dreg:$0xa]  }
0x1b: {  	[tilespmem:s1], [sflag:$0x1] =	stream.strided.gather [hbm4b:s4+s5], $0x1400, s6, s5, $0x38;
	[tilespmem:$0x1F400] =	vst v63  }
0x1c: {  	s13 =	simm.s32 $0x2800;
	s10 =	rddreg [dreg:$0xb]  }
0x1d: {  	[tilespmem:s13], [sflag:$0x1] =	stream.strided.gather [hbm4b:s10+s5], $0x1400, s6, s5, $0x38;
	[tilespmem:$0x1F400] =	vst v63  }
0x1e: {  	s11 =	simm.s32 $0x3C00;
	s14 =	rddreg [dreg:$0xc];
	s15 =	simm.s32 $0x1  }
0x1f: {  	[tilespmem:s11], [sflag:$0x1] =	stream.strided.gather [hbm4b:s14+s5], $0x1400, s6, s5, $0x38;
	[tilespmem:$0x1F400] =	vst v63  }
0x20: {  	_ =	swait.ge [sflag:s15], $0x1400  }
0x21: {  	[sflag:s15] =	ssyncset.done $0x0  }
0x22: {  	[sflag:s15] =	ssyncadd.s32 $0xFFFFEC00  }
0x23: {  	_ =	swait.ge [sflag:s15], $0x1400  }
0x24: {  	[sflag:s15] =	ssyncset.done $0x0  }
0x25: {  	[sflag:s15] =	ssyncadd.s32 $0xFFFFEC00  }
0x26: {  	_ =	swait.ge [sflag:s15], $0x1400  }
0x27: {  	[sflag:s15] =	ssyncset.done $0x0  }
0x28: {  	p1 =	por $0x0, $0x0;
	[sflag:s15] =	ssyncadd.s32 $0xFFFFEC00  }
.Ltmp0:
0x29: {  	_ =	swait.ge [sflag:s15], $0x1400;
	(pc) =	sbr.rel @p1 .LBB2_2-.Ltmp0, $4  }
0x2a: {  	[sflag:s15] =	ssyncset.done $0x0  }
0x2b: {  	[sflag:s15] =	ssyncadd.s32 $0xFFFFEC00  }
0x2c: {  	v5 =	vld [tilespmem:s1+$0x0]  }
0x2d: {  	s12 =	simm.s32 $0x10;
	p0 =	por $0x0, $0x0;
	v6 =	vld [tilespmem:s11+$0x0]  }
0x2e: {  	_ =	sdelay $0x2  }
0x2f: {  	v7 =	vmax.f32 v5, $-1.600000000e+01  }
0x30: {  	v7 =	vmin.f32 v7, $1.600000000e+01  }
0x31: {  	v8 =	vsub.f32 v7, v6;
	_ =	sdelay $0x1  }
0x32: {  	v8 =	vadd.f32 $1.000000000e+00, v8  }
0x33: {  	v7 =	vadd.f32 v6, v7  }
0x34: {  	v8 =	vmul.f32 $6.400000000e+01, v8  }
0x35: {  	v7 =	vadd.f32 $1.000000000e+00, v7  }
0x36: {  	v8 =	vadd.f32 $1.023500000e+03, v8  }
0x37: {  	v7 =	vmul.f32 $6.400000000e+01, v7  }
0x38: {  	v8 =	vtrunc.f32 v8  }
0x39: {  	v9 =	vld [tilespmem:s2+$0x0];
	v7 =	vadd.f32 $1.023500000e+03, v7;
	v8 =	vcvt.f32.s32 v8;
	_ =	sdelay $0x1  }
0x3a: {  	v7 =	vtrunc.f32 v7;
	v8 =	vadd.s32 $0xFFFFFC00, v8  }
0x3b: {  	v7 =	vcvt.f32.s32 v7;
	vm0 =	vgt.s32 v8, $0x0  }
0x3c: {  	v10 =	vld [tilespmem:s13+$0x0];
	v8 =	vnsel vm0, $0x0, v8  }
0x3d: {  	v11 =	vmax.f32 v9, $-1.600000000e+01;
	v7 =	vadd.s32 $0xFFFFFC00, v7;
	v8 =	vmin.u32 v8, $0x7F  }
0x3e: {  	v11 =	vmin.f32 v11, $1.600000000e+01;
	vm13 =	vgt.s32 v7, $0x0;
	v12 =	vsub.s32 v0, v8  }
0x3f: {  	v13 =	vsub.f32 v11, v6;
	v7 =	vnsel vm13, $0x0, v7;
	v12 =	vand.u32 $0x7, v12  }
0x40: {  	v11 =	vadd.f32 v6, v11;
	v7 =	vmin.u32 v7, $0x7F;
	v8 =	vadd.s32 v8, v12  }
0x41: {  	vm14 =	vgt.f32 v10, $9.999999770e-03;
	vm1 =	vle.u32 v8, v7  }
0x42: {  	v61 =	vadd.f32 $1.000000000e+00, v13;
	v11 =	vadd.f32 $1.000000000e+00, v11;
	vm0 =	vmand vm14, vm1  }
0x43: {  	v62 =	vsel vm0, $0x1, v1  }
0x44: {  	v11 =	vmul.f32 $6.400000000e+01, v11;
	v12 =	vmul.f32 $6.400000000e+01, v61;
	(xrf0) =	vadd.scan.msk.s32 $0xffff, v62  }
0x45: {  	v63 =	vmov s2  }
0x46: {  	v13 =	vadd.s32 $0xFFFFFFFF, v63;
	v11 =	vadd.f32 $1.023500000e+03, v11;
	v12 =	vadd.f32 $1.023500000e+03, v12  }
0x47: {  	v13 =	vbroadcast v13, $0x0  }
0x48: {  	v11 =	vtrunc.f32 v11;
	v12 =	vtrunc.f32 v12  }
0x49: {  	v11 =	vcvt.f32.s32 v11;
	v12 =	vcvt.f32.s32 v12  }
0x4a: {  	v14, _, _ =	vpop (xrf0)  }
0x4b: {  	v11 =	vadd.s32 $0xFFFFFC00, v11;
	v12 =	vadd.s32 $0xFFFFFC00, v12;
	v13 =	vadd.s32 v14, v13  }
0x4c: {  	vm2 =	vgt.s32 v11, $0x0;
	vm15 =	vgt.s32 v12, $0x0;
	(v2sf) =	vpush v14, $0xF  }
0x4d: {  	v11 =	vnsel vm2, $0x0, v11;
	v12 =	vnsel vm15, $0x0, v12  }
0x4e: {  	v11 =	vmin.u32 v11, $0x7F;
	v12 =	vmin.u32 v12, $0x7F  }
0x4f: {  	v11 =	vsub.s32 v11, v12  }
0x50: {  	v11 =	vadd.s32 $0x1, v11;
	[tilespmem:v13+s16+$0x0] =	vst.idx.msk vm0, v12  }
0x51: {  	[tilespmem:v13+s17+$0x0] =	vst.idx.msk vm0, v11  }
0x52: {  	[tilespmem:v13+s18+$0x0] =	vst.idx.msk vm0, v8  }
0x53: {  	[tilespmem:v13+s19+$0x0] =	vst.idx.msk vm0, v7  }
0x54: {  	p1 =	por $0x0, $0x0;
	v6 =	vmul.f32 v6, v6;
	v7 =	vand.u32 $0xFFFFE000, v10;
	[tilespmem:v13+s20+$0x0] =	vst.idx.msk vm0, v9  }
.Ltmp1:
0x55: {  	v7 =	vor.u32 s2, v7;
	[tilespmem:v13+s21+$0x0] =	vst.idx.msk vm0, v5;
	(pc) =	sbr.rel @p1 .LBB2_4-.Ltmp1, $4  }
0x56: {  	v5 =	vor.u32 v2, v7;
	[tilespmem:v13+s22+$0x0] =	vst.idx.msk vm0, v6  }
0x57: {  	s6 =	simm.s32 $0x1410;
	[tilespmem:v13+s23+$0x0] =	vst.idx.msk vm0, v5  }
0x58: {  	s10 =	simm.s32 $0x20;
	s11 =	simm.s32 $0x3C10;
	p0 =	por $0x1, $0x1;
	v5 =	vld [tilespmem:s6+$0x0]  }
0x59: {  	s4 =	simm.s32 $0x0;
	s5 =	simm.s32 $0x2800;
	s3 =	simm.s32 $0x0;
	v6 =	vld [tilespmem:s11+$0x0]  }
.LBB2_5:
0x5a: {  	p1 =	seq.s32 s10, $0x13F0;
	s4 =	sadd.s32 $0x10, s4;
	s5 =	sadd.s32 $0x10, s5  }
0x5b: {  	s14 =	smov.u32 s10;
	s10 =	sadd.s32 $0x10, s10;
	s15 =	spop (v2sf)  }
0x5c: {  	s3 =	sadd.s32 s3, s15  }
0x5d: {  	v7 =	vmax.f32 v5, $-1.600000000e+01;
	v8 =	vmov s3  }
0x5e: {  	v7 =	vmin.f32 v7, $1.600000000e+01;
	v8 =	vadd.s32 $0xFFFFFFFF, v8  }
0x5f: {  	v9 =	vsub.f32 v7, v6;
	v7 =	vadd.f32 v6, v7;
	_ =	sdelay $0x1  }
0x60: {  	v9 =	vadd.f32 $1.000000000e+00, v9;
	v7 =	vadd.f32 $1.000000000e+00, v7;
	_ =	sdelay $0x1  }
0x61: {  	v9 =	vmul.f32 $6.400000000e+01, v9;
	v7 =	vmul.f32 $6.400000000e+01, v7;
	_ =	sdelay $0x1  }
0x62: {  	v9 =	vadd.f32 $1.023500000e+03, v9;
	v7 =	vadd.f32 $1.023500000e+03, v7;
	_ =	sdelay $0x1  }
0x63: {  	v9 =	vtrunc.f32 v9;
	v7 =	vtrunc.f32 v7  }
0x64: {  	v10 =	vld [tilespmem:s4+$0x0];
	v9 =	vcvt.f32.s32 v9;
	v7 =	vcvt.f32.s32 v7;
	_ =	sdelay $0x1  }
0x65: {  	v9 =	vadd.s32 $0xFFFFFC00, v9;
	v7 =	vadd.s32 $0xFFFFFC00, v7  }
0x66: {  	v11 =	vld [tilespmem:s5+$0x0];
	vm0 =	vgt.s32 v9, $0x0;
	vm1 =	vgt.s32 v7, $0x0  }
0x67: {  	v9 =	vnsel vm0, $0x0, v9;
	v7 =	vnsel vm1, $0x0, v7  }
0x68: {  	v12 =	vmax.f32 v10, $-1.600000000e+01;
	v9 =	vmin.u32 v9, $0x7F  }
0x69: {  	v12 =	vmin.f32 v12, $1.600000000e+01;
	v13 =	vsub.s32 v0, v9  }
0x6a: {  	v7 =	vmin.u32 v7, $0x7F;
	v13 =	vand.u32 $0x7, v13;
	v14 =	vsub.f32 v12, v6  }
0x6b: {  	v12 =	vadd.f32 v6, v12;
	v9 =	vadd.s32 v9, v13;
	vm0 =	vgt.f32 v11, $9.999999770e-03  }
0x6c: {  	v11 =	vand.u32 $0xFFFFE000, v11;
	vm1 =	vle.u32 v9, v7;
	v13 =	vadd.f32 $1.000000000e+00, v14  }
0x6d: {  	v12 =	vadd.f32 $1.000000000e+00, v12;
	v11 =	vor.u32 s12, v11;
	s12 =	smov.u32 s14;
	vm0 =	vmand vm0, vm1  }
0x6e: {  	v14 =	vsel vm0, $0x1, v1;
	v13 =	vmul.f32 $6.400000000e+01, v13  }
0x6f: {  	v12 =	vmul.f32 $6.400000000e+01, v12;
	(xrf0) =	vadd.scan.msk.s32 $0xffff, v14  }
0x70: {  	v13 =	vadd.f32 $1.023500000e+03, v13  }
0x71: {  	v12 =	vadd.f32 $1.023500000e+03, v12  }
0x72: {  	v8 =	vbroadcast v8, $0x0;
	v13 =	vtrunc.f32 v13  }
0x73: {  	v12 =	vtrunc.f32 v12;
	v13 =	vcvt.f32.s32 v13  }
0x74: {  	v12 =	vcvt.f32.s32 v12  }
0x75: {  	v13 =	vadd.s32 $0xFFFFFC00, v13;
	v14, _, _ =	vpop (xrf0)  }
0x76: {  	v12 =	vadd.s32 $0xFFFFFC00, v12;
	v8 =	vadd.s32 v14, v8;
	vm1 =	vgt.s32 v13, $0x0  }
0x77: {  	v13 =	vnsel vm1, $0x0, v13;
	vm1 =	vgt.s32 v12, $0x0;
	(v2sf) =	vpush v14, $0xF  }
0x78: {  	v13 =	vmin.u32 v13, $0x7F;
	v12 =	vnsel vm1, $0x0, v12  }
0x79: {  	v12 =	vmin.u32 v12, $0x7F  }
0x7a: {  	v12 =	vsub.s32 v12, v13  }
0x7b: {  	v12 =	vadd.s32 $0x1, v12;
	[tilespmem:v8+s16+$0x0] =	vst.idx.msk vm0, v13  }
0x7c: {  	[tilespmem:v8+s17+$0x0] =	vst.idx.msk vm0, v12  }
0x7d: {  	[tilespmem:v8+s18+$0x0] =	vst.idx.msk vm0, v9  }
0x7e: {  	v6 =	vmul.f32 v6, v6;
	[tilespmem:v8+s19+$0x0] =	vst.idx.msk vm0, v7  }
0x7f: {  	[tilespmem:v8+s20+$0x0] =	vst.idx.msk vm0, v10  }
.Ltmp2:
0x80: {  	v7 =	vor.u32 v2, v11;
	[tilespmem:v8+s21+$0x0] =	vst.idx.msk vm0, v5;
	(pc) =	sbr.rel @!p1 .LBB2_5-.Ltmp2, $4  }
0x81: {  	s6 =	sadd.s32 $0x10, s6;
	[tilespmem:v8+s22+$0x0] =	vst.idx.msk vm0, v6  }
0x82: {  	[tilespmem:v8+s23+$0x0] =	vst.idx.msk vm0, v7  }
0x83: {  	s11 =	sadd.s32 $0x10, s11;
	v5 =	vld [tilespmem:s6+$0x0]  }
0x84: {  	v6 =	vld [tilespmem:s11+$0x0]  }
.LBB2_6:
0x85: {  	_ =	sdelay $0x2  }
0x86: {  	v7 =	vmax.f32 v5, $-1.600000000e+01  }
0x87: {  	v7 =	vmin.f32 v7, $1.600000000e+01  }
0x88: {  	v8 =	vsub.f32 v7, v6;
	_ =	sdelay $0x1  }
0x89: {  	v8 =	vadd.f32 $1.000000000e+00, v8  }
0x8a: {  	v7 =	vadd.f32 v6, v7  }
0x8b: {  	v8 =	vmul.f32 $6.400000000e+01, v8  }
0x8c: {  	v7 =	vadd.f32 $1.000000000e+00, v7  }
0x8d: {  	v8 =	vadd.f32 $1.023500000e+03, v8  }
0x8e: {  	v7 =	vmul.f32 $6.400000000e+01, v7  }
0x8f: {  	v8 =	vtrunc.f32 v8  }
0x90: {  	v7 =	vadd.f32 $1.023500000e+03, v7;
	v8 =	vcvt.f32.s32 v8;
	_ =	sdelay $0x1  }
0x91: {  	s5 =	sadd.s32 @p0 $0x10, s5;
	v7 =	vtrunc.f32 v7;
	v8 =	vadd.s32 $0xFFFFFC00, v8  }
0x92: {  	s4 =	sadd.s32 @p0 $0x10, s4;
	s6 =	simm.s32 $0x0;
	s13 =	smov.u32 @p0 s5;
	v7 =	vcvt.f32.s32 v7;
	vm0 =	vgt.s32 v8, $0x0  }
0x93: {  	s6 =	smov.u32 @p0 s4;
	v9 =	vld [tilespmem:s13+$0x0];
	v8 =	vnsel vm0, $0x0, v8  }
0x94: {  	v10 =	vld [tilespmem:s6+$0x0];
	v7 =	vadd.s32 $0xFFFFFC00, v7;
	v8 =	vmin.u32 v8, $0x7F  }
0x95: {  	vm13 =	vgt.s32 v7, $0x0;
	v11 =	vsub.s32 v0, v8  }
0x96: {  	v7 =	vnsel vm13, $0x0, v7;
	v11 =	vand.u32 $0x7, v11  }
0x97: {  	v7 =	vmin.u32 v7, $0x7F;
	v8 =	vadd.s32 v8, v11  }
0x98: {  	vm14 =	vgt.f32 v9, $9.999999770e-03;
	vm1 =	vle.u32 v8, v7  }
0x99: {  	v61 =	vmax.f32 v10, $-1.600000000e+01;
	vm0 =	vmand vm14, vm1  }
0x9a: {  	v11 =	vmin.f32 v61, $1.600000000e+01;
	v12 =	vsel vm0, $0x1, v1  }
0x9b: {  	v13 =	vsub.f32 v11, v6;
	v11 =	vadd.f32 v6, v11;
	(xrf0) =	vadd.scan.msk.s32 $0xffff, v12;
	_ =	sdelay $0x1  }
0x9c: {  	s4 =	spop @p0 (v2sf);
	v62 =	vadd.f32 $1.000000000e+00, v13;
	v11 =	vadd.f32 $1.000000000e+00, v11  }
0x9d: {  	s3 =	sadd.s32 @p0 s3, s4;
	s4 =	simm.s32 $0x0  }
0x9e: {  	s4 =	smov.u32 @p0 s3;
	v12 =	vmul.f32 $6.400000000e+01, v62;
	v11 =	vmul.f32 $6.400000000e+01, v11  }
0x9f: {  	v63 =	vmov s4  }
0xa0: {  	v13 =	vadd.s32 $0xFFFFFFFF, v63;
	v12 =	vadd.f32 $1.023500000e+03, v12;
	v11 =	vadd.f32 $1.023500000e+03, v11;
	v14, _, _ =	vpop (xrf0)  }
0xa1: {  	v13 =	vbroadcast v13, $0x0;
	(v2sf) =	vpush v14, $0xF  }
0xa2: {  	v12 =	vtrunc.f32 v12;
	v11 =	vtrunc.f32 v11  }
0xa3: {  	v12 =	vcvt.f32.s32 v12;
	v11 =	vcvt.f32.s32 v11;
	_ =	sdelay $0x1  }
0xa4: {  	v13 =	vadd.s32 v14, v13;
	v12 =	vadd.s32 $0xFFFFFC00, v12;
	v11 =	vadd.s32 $0xFFFFFC00, v11  }
0xa5: {  	vm15 =	vgt.s32 v12, $0x0;
	vm2 =	vgt.s32 v11, $0x0  }
0xa6: {  	v12 =	vnsel vm15, $0x0, v12;
	v11 =	vnsel vm2, $0x0, v11  }
0xa7: {  	v12 =	vmin.u32 v12, $0x7F;
	v11 =	vmin.u32 v11, $0x7F  }
0xa8: {  	v11 =	vsub.s32 v11, v12  }
0xa9: {  	[tilespmem:v13+s16+$0x0] =	vst.idx.msk vm0, v12;
	v11 =	vadd.s32 $0x1, v11  }
0xaa: {  	[tilespmem:v13+s17+$0x0] =	vst.idx.msk vm0, v11  }
0xab: {  	[tilespmem:v13+s18+$0x0] =	vst.idx.msk vm0, v8  }
0xac: {  	[tilespmem:v13+s19+$0x0] =	vst.idx.msk vm0, v7  }
0xad: {  	v6 =	vmul.f32 v6, v6;
	v7 =	vand.u32 $0xFFFFE000, v9;
	[tilespmem:v13+s20+$0x0] =	vst.idx.msk vm0, v10  }
0xae: {  	v7 =	vor.u32 s12, v7;
	[tilespmem:v13+s21+$0x0] =	vst.idx.msk vm0, v5  }
0xaf: {  	v5 =	vor.u32 v2, v7;
	[tilespmem:v13+s22+$0x0] =	vst.idx.msk vm0, v6;
	s17 =	spop (v2sf)  }
0xb0: {  	s3 =	simm.s32 $0x0;
	[tilespmem:v13+s23+$0x0] =	vst.idx.msk vm0, v5;
	s12 =	sadd.s32 s4, s17;
	s4 =	simm.s32 $0x40  }
.LBB2_7:
0xb1: {  	p0 =	seq.s32 s4, $0x1FC0;
	[tilespmem:s3+$0x12C00] =	vst v3  }
0xb2: {  	[tilespmem:s3+$0xF400] =	vst v3  }
0xb3: {  	[tilespmem:s3+$0xFC00] =	vst v3  }
.Ltmp3:
0xb4: {  	[tilespmem:s3+$0x10400] =	vst v3;
	(pc) =	sbr.rel @!p0 .LBB2_7-.Ltmp3, $4  }
0xb5: {  	[tilespmem:s3+$0x10C00] =	vst v3  }
0xb6: {  	[tilespmem:s3+$0x11400] =	vst v3  }
0xb7: {  	[tilespmem:s3+$0x11C00] =	vst v3  }
0xb8: {  	[tilespmem:s3+$0x12400] =	vst v3;
	s3 =	sshra.s32 s4, $0x2;
	s4 =	sadd.s32 $0x40, s4  }
0xb9: {  	[tilespmem:s3+$0x12C00] =	vst v3  }
0xba: {  	[tilespmem:s3+$0xF400] =	vst v3  }
0xbb: {  	[tilespmem:s3+$0xFC00] =	vst v3;
	p0 =	sgt.s32 s12, $0x0  }
.Ltmp4:
0xbc: {  	[tilespmem:s3+$0x10400] =	vst v3;
	(pc) =	sbr.rel @p0 .LBB2_9-.Ltmp4, $4  }
0xbd: {  	[tilespmem:s3+$0x10C00] =	vst v3  }
0xbe: {  	[tilespmem:s3+$0x11400] =	vst v3  }
0xbf: {  	[tilespmem:s3+$0x11C00] =	vst v3  }
0xc0: {  	[tilespmem:s3+$0x12400] =	vst v3;
	s3 =	simm.s32 $0x0  }
.LBB2_18:
0xc1: {  	s12 =	simm.s32 $0x0;
	s13 =	simm.s32 $0x12C00;
	s14 =	simm.s32 $0x12400  }
0xc2: {  	s10 =	simm.s32 $0x11C00;
	s3 =	simm.s32 $0x11400;
	s4 =	simm.s32 $0x10C00  }
0xc3: {  	s5 =	simm.s32 $0x10400;
	s6 =	simm.s32 $0xFC00;
	s11 =	simm.s32 $0xF400  }
.LBB2_19:
0xc4: {  	s15 =	sshll.u32 s12, $0x3;
	s16 =	rddreg [dreg:$0x8]  }
0xc5: {  	s15 =	sor.u32 s16, s15  }
0xc6: {  	v5 =	vmov s15  }
0xc7: {  	v5 =	vcvt.s32.f32 v5;
	_ =	sdelay $0x1  }
0xc8: {  	v5 =	vmul.f32 $1.562500000e-02, v5  }
0xc9: {  	v6 =	vmov s11  }
0xca: {  	v7 =	vmov s6;
	v8 =	vmov s5;
	v5 =	vadd.f32 $-9.921875000e-01, v5  }
0xcb: {  	v9 =	vmov s4;
	v10 =	vmov s3;
	v11 =	vmov s10  }
0xcc: {  	v12 =	vmov s14;
	v13 =	vmov s13;
	s16 =	simm.s32 $0x0;
	[dreg:$0x10] =	wrdreg s15;
	s15 =	simm.s32 $0x0;
	v5 =	vbroadcast v5, $0x0  }
.LBB2_20:
0xcd: {  	s17 =	sshra.s32 s16, $0x2  }
0xce: {  	v16 =	vld.idx.msk [tilespmem:v6+s17+$0x0 ss:$0x1], $0xffff;
	_ =	sdelay $0x4  }
0xcf: {  	v17 =	vand.u32 $0x1FFF, v16;
	_ =	sdelay $0x3  }
0xd0: {  	v15 =	vor.u32 s15, v2  }
0xd1: {  	v14 =	vcvt.s32.f32 v15;
	v18 =	vld.idx.msk [tilespmem:v17+s2+$0x0], $0xffff  }
0xd2: {  	v19 =	vld.idx.msk [tilespmem:v17+s1+$0x0], $0xffff  }
0xd3: {  	v14 =	vmul.f32 $1.562500000e-02, v14;
	_ =	sdelay $0x1  }
0xd4: {  	v14 =	vadd.f32 $-9.921875000e-01, v14;
	_ =	sdelay $0x1  }
0xd5: {  	v15 =	vshll.u32 v15, $0x7;
	v18 =	vsub.f32 v14, v18;
	v19 =	vsub.f32 v5, v19  }
0xd6: {  	vm0 =	vlt.f32 v16, $+Inf  }
0xd7: {  	vm1 =	vgt.f32 v16, $+Inf;
	v18 =	vmul.f32 v18, v18;
	v19 =	vmul.f32 v19, v19  }
0xd8: {  	vm0 =	vmor vm1, vm0  }
0xd9: {  	v16 =	vand.u32 $0xFFFFE000, v16;
	v17 =	vnsel vm0, $0xFFFFFFFF, v17;
	v18 =	vadd.f32 v19, v18  }
0xda: {  	v16 =	vnsel vm0, $0xBF800000, v16;
	[tilespmem:v15+s7+$0x0] =	vst.idx.msk $0xffff, v17  }
0xdb: {  	[tilespmem:v15+s8+$0x0] =	vst.idx.msk $0xffff, v16;
	v30 =	vnsel vm0, $0xBF800000, v18  }
0xdc: {  	[tilespmem:v15+s9+$0x0] =	vst.idx.msk $0xffff, v30  }
0xdd: {  	v16 =	vld.idx.msk [tilespmem:v7+s17+$0x0 ss:$0x1], $0xffff;
	_ =	sdelay $0x4  }
0xde: {  	v31 =	vand.u32 $0x1FFF, v16;
	_ =	sdelay $0x4  }
0xdf: {  	v32 =	vld.idx.msk [tilespmem:v31+s2+$0x0], $0xffff  }
0xe0: {  	v33 =	vld.idx.msk [tilespmem:v31+s1+$0x0], $0xffff;
	_ =	sdelay $0x4  }
0xe1: {  	v20 =	vor.u32 $0x1, v15;
	v18 =	vsub.f32 v14, v32;
	v19 =	vsub.f32 v5, v33  }
0xe2: {  	vm14 =	vlt.f32 v16, $+Inf  }
0xe3: {  	vm15 =	vgt.f32 v16, $+Inf;
	v18 =	vmul.f32 v18, v18;
	v19 =	vmul.f32 v19, v19  }
0xe4: {  	vm0 =	vmor vm15, vm14  }
0xe5: {  	v16 =	vand.u32 $0xFFFFE000, v16;
	v17 =	vnsel vm0, $0xFFFFFFFF, v31;
	v18 =	vadd.f32 v19, v18  }
0xe6: {  	v16 =	vnsel vm0, $0xBF800000, v16;
	[tilespmem:v20+s7+$0x0] =	vst.idx.msk $0xffff, v17  }
0xe7: {  	[tilespmem:v20+s8+$0x0] =	vst.idx.msk $0xffff, v16;
	v34 =	vnsel vm0, $0xBF800000, v18  }
0xe8: {  	[tilespmem:v20+s9+$0x0] =	vst.idx.msk $0xffff, v34  }
0xe9: {  	v16 =	vld.idx.msk [tilespmem:v8+s17+$0x0 ss:$0x1], $0xffff;
	_ =	sdelay $0x4  }
0xea: {  	v35 =	vand.u32 $0x1FFF, v16;
	_ =	sdelay $0x4  }
0xeb: {  	v36 =	vld.idx.msk [tilespmem:v35+s2+$0x0], $0xffff  }
0xec: {  	v37 =	vld.idx.msk [tilespmem:v35+s1+$0x0], $0xffff;
	_ =	sdelay $0x4  }
0xed: {  	v38 =	vor.u32 $0x2, v15;
	v18 =	vsub.f32 v14, v36;
	v19 =	vsub.f32 v5, v37  }
0xee: {  	vm4 =	vlt.f32 v16, $+Inf  }
0xef: {  	vm5 =	vgt.f32 v16, $+Inf;
	v18 =	vmul.f32 v18, v18;
	v19 =	vmul.f32 v19, v19  }
0xf0: {  	vm0 =	vmor vm5, vm4  }
0xf1: {  	v16 =	vand.u32 $0xFFFFE000, v16;
	v17 =	vnsel vm0, $0xFFFFFFFF, v35;
	v18 =	vadd.f32 v19, v18  }
0xf2: {  	v16 =	vnsel vm0, $0xBF800000, v16;
	[tilespmem:v38+s7+$0x0] =	vst.idx.msk $0xffff, v17  }
0xf3: {  	[tilespmem:v38+s8+$0x0] =	vst.idx.msk $0xffff, v16;
	v39 =	vnsel vm0, $0xBF800000, v18  }
0xf4: {  	[tilespmem:v38+s9+$0x0] =	vst.idx.msk $0xffff, v39  }
0xf5: {  	v16 =	vld.idx.msk [tilespmem:v9+s17+$0x0 ss:$0x1], $0xffff;
	_ =	sdelay $0x4  }
0xf6: {  	v40 =	vand.u32 $0x1FFF, v16;
	_ =	sdelay $0x4  }
0xf7: {  	v41 =	vld.idx.msk [tilespmem:v40+s2+$0x0], $0xffff  }
0xf8: {  	v42 =	vld.idx.msk [tilespmem:v40+s1+$0x0], $0xffff;
	_ =	sdelay $0x4  }
0xf9: {  	v43 =	vor.u32 $0x3, v15;
	v18 =	vsub.f32 v14, v41;
	v19 =	vsub.f32 v5, v42  }
0xfa: {  	vm6 =	vlt.f32 v16, $+Inf  }
0xfb: {  	vm7 =	vgt.f32 v16, $+Inf;
	v18 =	vmul.f32 v18, v18;
	v19 =	vmul.f32 v19, v19  }
0xfc: {  	vm0 =	vmor vm7, vm6  }
0xfd: {  	v16 =	vand.u32 $0xFFFFE000, v16;
	v17 =	vnsel vm0, $0xFFFFFFFF, v40;
	v18 =	vadd.f32 v19, v18  }
0xfe: {  	v16 =	vnsel vm0, $0xBF800000, v16;
	[tilespmem:v43+s7+$0x0] =	vst.idx.msk $0xffff, v17  }
0xff: {  	[tilespmem:v43+s8+$0x0] =	vst.idx.msk $0xffff, v16;
	v44 =	vnsel vm0, $0xBF800000, v18  }
0x100: {  	[tilespmem:v43+s9+$0x0] =	vst.idx.msk $0xffff, v44  }
0x101: {  	v16 =	vld.idx.msk [tilespmem:v10+s17+$0x0 ss:$0x1], $0xffff;
	_ =	sdelay $0x4  }
0x102: {  	v45 =	vand.u32 $0x1FFF, v16;
	_ =	sdelay $0x4  }
0x103: {  	v46 =	vld.idx.msk [tilespmem:v45+s2+$0x0], $0xffff  }
0x104: {  	v47 =	vld.idx.msk [tilespmem:v45+s1+$0x0], $0xffff;
	_ =	sdelay $0x4  }
0x105: {  	v48 =	vor.u32 $0x4, v15;
	v18 =	vsub.f32 v14, v46;
	v19 =	vsub.f32 v5, v47  }
0x106: {  	vm8 =	vlt.f32 v16, $+Inf  }
0x107: {  	vm9 =	vgt.f32 v16, $+Inf;
	v18 =	vmul.f32 v18, v18;
	v19 =	vmul.f32 v19, v19  }
0x108: {  	vm0 =	vmor vm9, vm8  }
0x109: {  	v16 =	vand.u32 $0xFFFFE000, v16;
	v17 =	vnsel vm0, $0xFFFFFFFF, v45;
	v18 =	vadd.f32 v19, v18  }
0x10a: {  	v16 =	vnsel vm0, $0xBF800000, v16;
	[tilespmem:v48+s7+$0x0] =	vst.idx.msk $0xffff, v17  }
0x10b: {  	[tilespmem:v48+s8+$0x0] =	vst.idx.msk $0xffff, v16;
	v49 =	vnsel vm0, $0xBF800000, v18  }
0x10c: {  	[tilespmem:v48+s9+$0x0] =	vst.idx.msk $0xffff, v49  }
0x10d: {  	v16 =	vld.idx.msk [tilespmem:v11+s17+$0x0 ss:$0x1], $0xffff;
	_ =	sdelay $0x4  }
0x10e: {  	v50 =	vand.u32 $0x1FFF, v16;
	_ =	sdelay $0x4  }
0x10f: {  	v51 =	vld.idx.msk [tilespmem:v50+s2+$0x0], $0xffff  }
0x110: {  	v52 =	vld.idx.msk [tilespmem:v50+s1+$0x0], $0xffff;
	_ =	sdelay $0x4  }
0x111: {  	v53 =	vor.u32 $0x5, v15;
	v18 =	vsub.f32 v14, v51;
	v19 =	vsub.f32 v5, v52  }
0x112: {  	vm10 =	vlt.f32 v16, $+Inf  }
0x113: {  	vm11 =	vgt.f32 v16, $+Inf;
	v18 =	vmul.f32 v18, v18;
	v19 =	vmul.f32 v19, v19  }
0x114: {  	vm0 =	vmor vm11, vm10  }
0x115: {  	v16 =	vand.u32 $0xFFFFE000, v16;
	v17 =	vnsel vm0, $0xFFFFFFFF, v50;
	v18 =	vadd.f32 v19, v18  }
0x116: {  	v16 =	vnsel vm0, $0xBF800000, v16;
	[tilespmem:v53+s7+$0x0] =	vst.idx.msk $0xffff, v17  }
0x117: {  	[tilespmem:v53+s8+$0x0] =	vst.idx.msk $0xffff, v16;
	v54 =	vnsel vm0, $0xBF800000, v18  }
0x118: {  	[tilespmem:v53+s9+$0x0] =	vst.idx.msk $0xffff, v54  }
0x119: {  	v16 =	vld.idx.msk [tilespmem:v12+s17+$0x0 ss:$0x1], $0xffff;
	_ =	sdelay $0x4  }
0x11a: {  	v55 =	vand.u32 $0x1FFF, v16;
	_ =	sdelay $0x4  }
0x11b: {  	v56 =	vld.idx.msk [tilespmem:v55+s2+$0x0], $0xffff  }
0x11c: {  	v57 =	vld.idx.msk [tilespmem:v55+s1+$0x0], $0xffff;
	_ =	sdelay $0x4  }
0x11d: {  	v58 =	vor.u32 $0x6, v15;
	v18 =	vsub.f32 v14, v56;
	v19 =	vsub.f32 v5, v57  }
0x11e: {  	vm12 =	vlt.f32 v16, $+Inf  }
0x11f: {  	vm13 =	vgt.f32 v16, $+Inf;
	v18 =	vmul.f32 v18, v18;
	v19 =	vmul.f32 v19, v19  }
0x120: {  	vm0 =	vmor vm13, vm12  }
0x121: {  	v16 =	vand.u32 $0xFFFFE000, v16;
	v17 =	vnsel vm0, $0xFFFFFFFF, v55;
	v18 =	vadd.f32 v19, v18  }
0x122: {  	v16 =	vnsel vm0, $0xBF800000, v16;
	[tilespmem:v58+s7+$0x0] =	vst.idx.msk $0xffff, v17  }
0x123: {  	[tilespmem:v58+s8+$0x0] =	vst.idx.msk $0xffff, v16;
	v59 =	vnsel vm0, $0xBF800000, v18  }
0x124: {  	[tilespmem:v58+s9+$0x0] =	vst.idx.msk $0xffff, v59  }
0x125: {  	v16 =	vld.idx.msk [tilespmem:v13+s17+$0x0 ss:$0x1], $0xffff;
	_ =	sdelay $0x4  }
0x126: {  	v60 =	vand.u32 $0x1FFF, v16;
	_ =	sdelay $0x4  }
0x127: {  	v61 =	vld.idx.msk [tilespmem:v60+s2+$0x0], $0xffff  }
0x128: {  	v62 =	vld.idx.msk [tilespmem:v60+s1+$0x0], $0xffff;
	_ =	sdelay $0x4  }
0x129: {  	v15 =	vor.u32 $0x7, v15;
	v14 =	vsub.f32 v14, v61;
	v63 =	vsub.f32 v5, v62  }
0x12a: {  	vm14 =	vlt.f32 v16, $+Inf  }
0x12b: {  	p0 =	sne.s32 s16, $0x1C0;
	vm15 =	vgt.f32 v16, $+Inf;
	v14 =	vmul.f32 v14, v14;
	v18 =	vmul.f32 v63, v63  }
.Ltmp5:
0x12c: {  	vm0 =	vmor vm15, vm14;
	(pc) =	sbr.rel @p0 .LBB2_20-.Ltmp5, $4  }
0x12d: {  	v16 =	vand.u32 $0xFFFFE000, v16;
	v17 =	vnsel vm0, $0xFFFFFFFF, v60;
	v14 =	vadd.f32 v18, v14  }
0x12e: {  	v16 =	vnsel vm0, $0xBF800000, v16;
	[tilespmem:v15+s7+$0x0] =	vst.idx.msk $0xffff, v17  }
0x12f: {  	[tilespmem:v15+s8+$0x0] =	vst.idx.msk $0xffff, v16;
	v14 =	vnsel vm0, $0xBF800000, v14  }
0x130: {  	s15 =	sadd.s32 $0x10, s15;
	s16 =	sadd.s32 $0x40, s16;
	[tilespmem:v15+s9+$0x0] =	vst.idx.msk $0xffff, v14  }
0x131: {  	s15 =	rddreg [dreg:$0x10]  }
0x132: {  	s16 =	rddreg [dreg:$0xd];
	s15 =	sshll.u32 s15, $0xB  }
0x133: {  	s17 =	rddreg [dreg:$0x5];
	s15 =	sadd.s32 s16, s15  }
0x134: {  	s16 =	sadd.s32 s17, s15;
	s17 =	rddreg [dreg:$0x6]  }
0x135: {  	[hbm4b:s16+s2] =	stream.linear.scatter [tilespmem:s7], [sflag:$0x1], $0x4000, $0x38;
	[tilespmem:$0x1F400] =	vst v63  }
0x136: {  	s16 =	sadd.s32 s17, s15;
	s17 =	rddreg [dreg:$0x7]  }
0x137: {  	[hbm4b:s16+s2] =	stream.linear.scatter [tilespmem:s8], [sflag:$0x1], $0x4000, $0x38;
	[tilespmem:$0x1F400] =	vst v63  }
0x138: {  	s15 =	sadd.s32 s17, s15;
	s17 =	simm.s32 $0x1  }
0x139: {  	[hbm4b:s15+s2] =	stream.linear.scatter [tilespmem:s9], [sflag:$0x1], $0x4000, $0x38;
	[tilespmem:$0x1F400] =	vst v63  }
0x13a: {  	_ =	swait.ge [sflag:s17], $0x4000  }
0x13b: {  	[sflag:s17] =	ssyncset.done $0x0  }
0x13c: {  	s12 =	sadd.s32 $0x1, s12;
	[sflag:s17] =	ssyncadd.s32 $0xFFFFC000  }
0x13d: {  	p0 =	sne.s32 s12, $0x10;
	_ =	swait.ge [sflag:s17], $0x4000  }
.Ltmp6:
0x13e: {  	[sflag:s17] =	ssyncset.done $0x0;
	(pc) =	sbr.rel @p0 .LBB2_19-.Ltmp6, $4  }
0x13f: {  	s13 =	sadd.s32 $0x80, s13;
	s14 =	sadd.s32 $0x80, s14;
	[sflag:s17] =	ssyncadd.s32 $0xFFFFC000  }
0x140: {  	s10 =	sadd.s32 $0x80, s10;
	s3 =	sadd.s32 $0x80, s3;
	_ =	swait.ge [sflag:s17], $0x4000  }
0x141: {  	s4 =	sadd.s32 $0x80, s4;
	s5 =	sadd.s32 $0x80, s5;
	[sflag:s17] =	ssyncset.done $0x0  }
0x142: {  	s6 =	sadd.s32 $0x80, s6;
	s11 =	sadd.s32 $0x80, s11;
	[sflag:s17] =	ssyncadd.s32 $0xFFFFC000  }
0x143: {  	s4 =	rddreg [dreg:$0xf]  }
0x144: {  	s3 =	rddreg [dreg:$0xe];
	s4 =	sadd.s32 $0x1, s4  }
0x145: {  	p0 =	sne.s32 s4, s3  }
.Ltmp7:
0x146: {  	_ = 	snop;
	(pc) =	sbr.rel @p0 .LBB2_1-.Ltmp7, $4  }
.Ltmp8:
0x147: {  	_ = 	snop;
	(pc) =	sbr.rel @!p0 .LBB2_23-.Ltmp8, $4  }
0x148: {  	_ = 	snop  }
0x149: {  	_ = 	snop  }
0x14a: {  	s16 =	simm.s32 $0x5000;
	s17 =	simm.s32 $0x6480  }
0x14b: {  	_ = 	snop  }
.LBB2_11:
0x14c: {  	_ = 	snop  }
.LBB2_16:
0x14d: {  	_ =	sdelay $0x4  }
0x14e: {  	[tilespmem:v9+s31+$0x0] =	vst.idx.msk @p0 vm1, v14;
	v10 =	vmax.f32 @p0 v11, v15;
	v8 =	vadd.f32 v13, v8  }
0x14f: {  	[tilespmem:v9+s0+$0x0] =	vst.idx.msk @p0 vm1, v10  }
0x150: {  	vm15 =	vlt.f32 v8, v7;
	v7 =	vld.idx.msk [tilespmem:v5+s24+$0x0], $0xffff  }
0x151: {  	v55 =	vld.idx.msk [tilespmem:v5+s25+$0x0], $0xffff;
	vm0 =	vmand vm0, vm15  }
0x152: {  	v10 =	vld.idx.msk [tilespmem:v5+s26+$0x0], $0xffff  }
0x153: {  	v9 =	vld.idx.msk [tilespmem:v5+s28+$0x0], $0xffff  }
0x154: {  	v56 =	vld.idx.msk [tilespmem:v5+s29+$0x0], $0xffff  }
0x155: {  	v12 =	vld.idx.msk [tilespmem:v5+s30+$0x0], $0xffff;
	v6 =	vnsel vm0, $0x7F800000, v6  }
0x156: {  	v14 =	vld.idx.msk [tilespmem:v5+s31+$0x0], $0xffff;
	v58 =	vmin.f32 v7, v6;
	v16 =	vmin.f32 v55, v6  }
0x157: {  	v57 =	vld.idx.msk [tilespmem:v5+s0+$0x0], $0xffff;
	v59 =	vmin.f32 v10, v6;
	v7 =	vmax.f32 v7, v16;
	[tilespmem:v5+s24+$0x0] =	vst.idx.msk vm0, v58  }
0x158: {  	v60 =	vmin.f32 v9, v6;
	[tilespmem:v5+s25+$0x0] =	vst.idx.msk vm0, v7;
	v7 =	vmax.f32 v55, v59  }
0x159: {  	v61 =	vmax.f32 v10, v60;
	[tilespmem:v5+s26+$0x0] =	vst.idx.msk vm0, v7;
	v7 =	vmin.f32 v56, v6  }
0x15a: {  	v62 =	vmin.f32 v12, v6;
	[tilespmem:v5+s28+$0x0] =	vst.idx.msk vm0, v61;
	v7 =	vmax.f32 v9, v7  }
0x15b: {  	v63 =	vmin.f32 v14, v6;
	[tilespmem:v5+s29+$0x0] =	vst.idx.msk vm0, v7;
	v7 =	vmax.f32 v56, v62  }
0x15c: {  	v6 =	vmin.f32 v57, v6;
	[tilespmem:v5+s30+$0x0] =	vst.idx.msk vm0, v7;
	v7 =	vmax.f32 v12, v63  }
0x15d: {  	v6 =	vmax.f32 v14, v6;
	[tilespmem:v5+s31+$0x0] =	vst.idx.msk vm0, v7  }
0x15e: {  	[tilespmem:v5+s0+$0x0] =	vst.idx.msk vm0, v6  }
.LBB2_17:
0x15f: {  	s3 =	sadd.s32 $0x1, s3  }
0x160: {  	p0 =	sne.s32 s3, s12  }
.Ltmp9:
0x161: {  	_ = 	snop;
	(pc) =	sbr.rel @!p0 .LBB2_18-.Ltmp9, $1  }
0x162: {  	_ =	sdelay $0x3  }
.LBB2_9:
0x163: {  	v5 =	vld [tilespmem:s3+$0x7900]  }
0x164: {  	v6 =	vld [tilespmem:s3+$0x8D80];
	_ =	sdelay $0x3  }
0x165: {  	(v2sf) =	vpush v5, $0x0  }
0x166: {  	(v2sf) =	vpush v6, $0x0;
	_ =	sdelay $0xd  }
0x167: {  	s4 =	spop (v2sf)  }
0x168: {  	s5 =	spop (v2sf)  }
0x169: {  	s5 =	ssub.s32 s5, s4  }
0x16a: {  	s5 =	sshra.s32 s5, $0x3  }
0x16b: {  	p0 =	slt.s32 s5, $0x0  }
.Ltmp10:
0x16c: {  	_ = 	snop;
	(pc) =	sbr.rel @p0 .LBB2_17-.Ltmp10, $1  }
0x16d: {  	_ =	sdelay $0x3  }
0x16e: {  	v5 =	vld.msk [tilespmem:s3+$0x5000 ss:$0x0], $0xffff;
	_ =	sdelay $0x4  }
0x16f: {  	v6 =	vcvt.s32.f32 v5  }
0x170: {  	v7 =	vmov s4  }
0x171: {  	v7 =	vcvt.s32.f32 v7;
	v6 =	vadd.f32 v4, v6  }
0x172: {  	v9 =	vld [tilespmem:s3+$0xB680]  }
0x173: {  	v7 =	vmul.f32 $1.562500000e-02, v7;
	v6 =	vadd.f32 $5.000000000e-01, v6  }
0x174: {  	v8 =	vld.msk [tilespmem:s3+$0xA200 ss:$0x0], $0xffff;
	v5 =	vadd.s32 v2, v5  }
0x175: {  	s6 =	sadd.s32 $0x1, s5;
	s5 =	sshll.u32 s4, $0x4;
	v7 =	vadd.f32 $-9.921875000e-01, v7;
	vm0 =	vlt.s32 v5, $0x7F;
	v6 =	vmul.f32 $1.562500000e-02, v6  }
0x176: {  	v11 =	vld.msk [tilespmem:s3+$0x6480 ss:$0x0], $0xffff;
	p1 =	sne.s32 s6, $0x1;
	s10 =	sand.u32 $0xFFFFFF80, s5;
	v10 =	vnsel vm0, $0x7F, v5  }
.Ltmp11:
0x177: {  	v7 =	vsub.f32 v7, v9;
	v5 =	vadd.s32 s10, v10;
	v6 =	vadd.f32 $-1.000000000e+00, v6;
	(pc) =	sbr.rel @!p1 .LBB2_11-.Ltmp11, $4  }
0x178: {  	_ = 	snop  }
0x179: {  	v12 =	vmul.f32 v7, v7;
	v6 =	vsub.f32 v6, v8  }
0x17a: {  	v7 =	vld.msk [tilespmem:s3+$0xCB00 ss:$0x0], $0xffff  }
0x17b: {  	p0 =	por $0x0, $0x0;
	s6 =	sadd.s32 $0xFFFFFFFF, s6;
	vm0 =	vgt.s32 v11, v2;
	v13 =	vbroadcast v12, $0x0;
	v8 =	vmul.f32 v6, v6;
	v6 =	vld.msk [tilespmem:s3+$0xDF80 ss:$0x0], $0xffff  }
0x17c: {  	_ =	sdelay $0x3  }
0x17d: {  	v12 =	vld.idx.msk [tilespmem:v5+s28+$0x0], $0xffff;
	v11 =	vadd.f32 v13, v8  }
0x17e: {  	v14 =	vld.idx.msk [tilespmem:v5+s25+$0x0], $0xffff  }
0x17f: {  	s4 =	sadd.s32 $0x8, s4;
	v13 =	vld.idx.msk [tilespmem:v5+s24+$0x0], $0xffff;
	vm1 =	vlt.f32 v11, v7  }
0x180: {  	v15 =	vld.idx.msk [tilespmem:v5+s26+$0x0], $0xffff;
	v11 =	vmov s4;
	vm1 =	vmand vm0, vm1  }
0x181: {  	v11 =	vcvt.s32.f32 v11  }
0x182: {  	v16 =	vld.idx.msk [tilespmem:v5+s29+$0x0], $0xffff  }
0x183: {  	v17 =	vld.idx.msk [tilespmem:v5+s30+$0x0], $0xffff;
	v18 =	vnsel vm1, $0x7F800000, v6;
	v19 =	vmul.f32 $1.562500000e-02, v11  }
0x184: {  	v21 =	vmin.f32 v13, v18;
	v22 =	vmin.f32 v12, v18  }
0x185: {  	v11 =	vld.idx.msk [tilespmem:v5+s31+$0x0], $0xffff;
	v62 =	vmin.f32 v14, v18;
	v63 =	vmin.f32 v15, v18;
	v19 =	vadd.f32 $-9.921875000e-01, v19  }
0x186: {  	v20 =	vld.idx.msk [tilespmem:v5+s0+$0x0], $0xffff;
	p1 =	sne.s32 s6, $0x1;
	v13 =	vmax.f32 v13, v62;
	v15 =	vmax.f32 v15, v22;
	[tilespmem:v5+s24+$0x0] =	vst.idx.msk vm1, v21  }
.Ltmp12:
0x187: {  	v19 =	vsub.f32 v19, v9;
	[tilespmem:v5+s25+$0x0] =	vst.idx.msk vm1, v13;
	v13 =	vmax.f32 v14, v63;
	(pc) =	sbr.rel @!p1 .LBB2_13-.Ltmp12, $4  }
0x188: {  	s5 =	sadd.s32 $0x80, s5;
	v14 =	vmin.f32 v17, v18;
	[tilespmem:v5+s26+$0x0] =	vst.idx.msk vm1, v13;
	v13 =	vmin.f32 v16, v18  }
0x189: {  	s10 =	sand.u32 $0xFFFFFF80, s5;
	v19 =	vmul.f32 v19, v19;
	[tilespmem:v5+s28+$0x0] =	vst.idx.msk vm1, v15;
	v13 =	vmax.f32 v12, v13  }
0x18a: {  	v14 =	vmax.f32 v16, v14;
	v12 =	vadd.s32 s10, v10;
	v15 =	vmin.f32 v11, v18;
	[tilespmem:v5+s29+$0x0] =	vst.idx.msk vm1, v13  }
0x18b: {  	s6 =	sadd.s32 $0xFFFFFFFF, s6;
	p0 =	por $0x1, $0x1;
	v13 =	vbroadcast v19, $0x0;
	[tilespmem:v5+s30+$0x0] =	vst.idx.msk vm1, v14;
	v14 =	vmax.f32 v17, v15;
	v15 =	vmin.f32 v20, v18  }
.LBB2_14:
0x18c: {  	p1 =	sne.s32 s6, $0x1;
	s6 =	sadd.s32 $0xFFFFFFFF, s6;
	[tilespmem:v5+s31+$0x0] =	vst.idx.msk vm1, v14;
	v11 =	vmax.f32 v11, v15  }
0x18d: {  	v13 =	vadd.f32 v13, v8;
	[tilespmem:v5+s0+$0x0] =	vst.idx.msk vm1, v11;
	v5 =	vmov v12  }
0x18e: {  	v14 =	vld.idx.msk [tilespmem:v12+s28+$0x0], $0xffff  }
0x18f: {  	vm1 =	vlt.f32 v13, v7;
	v13 =	vld.idx.msk [tilespmem:v12+s24+$0x0], $0xffff  }
0x190: {  	s4 =	sadd.s32 $0x8, s4;
	vm1 =	vmand vm0, vm1;
	v15 =	vld.idx.msk [tilespmem:v12+s25+$0x0], $0xffff  }
0x191: {  	v11 =	vmov s4;
	v12 =	vld.idx.msk [tilespmem:v12+s26+$0x0], $0xffff  }
0x192: {  	v11 =	vcvt.s32.f32 v11;
	v16 =	vld.idx.msk [tilespmem:v5+s29+$0x0], $0xffff  }
0x193: {  	v17 =	vnsel vm1, $0x7F800000, v6;
	v18 =	vld.idx.msk [tilespmem:v5+s30+$0x0], $0xffff  }
0x194: {  	v19 =	vmul.f32 $1.562500000e-02, v11;
	v21 =	vmin.f32 v14, v17;
	v20 =	vld.idx.msk [tilespmem:v5+s0+$0x0], $0xffff  }
0x195: {  	v22 =	vmin.f32 v13, v17;
	v11 =	vld.idx.msk [tilespmem:v5+s31+$0x0], $0xffff  }
0x196: {  	v19 =	vadd.f32 $-9.921875000e-01, v19;
	[tilespmem:v5+s24+$0x0] =	vst.idx.msk vm1, v22;
	v22 =	vmin.f32 v15, v17  }
0x197: {  	s5 =	sadd.s32 $0x80, s5;
	v21 =	vmax.f32 v12, v21;
	v13 =	vmax.f32 v13, v22;
	v22 =	vmin.f32 v12, v17  }
.Ltmp13:
0x198: {  	v12 =	vsub.f32 v19, v9;
	[tilespmem:v5+s25+$0x0] =	vst.idx.msk vm1, v13;
	v13 =	vmax.f32 v15, v22;
	(pc) =	sbr.rel @p1 .LBB2_14-.Ltmp13, $4  }
0x199: {  	s10 =	sand.u32 $0xFFFFFF80, s5;
	v15 =	vmin.f32 v18, v17;
	[tilespmem:v5+s26+$0x0] =	vst.idx.msk vm1, v13;
	v13 =	vmin.f32 v16, v17  }
0x19a: {  	v19 =	vmul.f32 v12, v12;
	v12 =	vadd.s32 s10, v10;
	[tilespmem:v5+s28+$0x0] =	vst.idx.msk vm1, v21;
	v13 =	vmax.f32 v14, v13  }
0x19b: {  	v14 =	vmax.f32 v16, v15;
	v15 =	vmin.f32 v11, v17;
	[tilespmem:v5+s29+$0x0] =	vst.idx.msk vm1, v13  }
0x19c: {  	v13 =	vbroadcast v19, $0x0;
	[tilespmem:v5+s30+$0x0] =	vst.idx.msk vm1, v14;
	v14 =	vmax.f32 v18, v15;
	v15 =	vmin.f32 v20, v17  }
.Ltmp14:
0x19d: {  	(pc) =	sbr.rel .LBB2_16-.Ltmp14, $2  }
0x19e: {  	_ =	sdelay $0x2  }
0x19f: {  	v9 =	vmov v5;
	v5 =	vmov v12  }
.LBB2_13:
.Ltmp15:
0x1a0: {  	(pc) =	sbr.rel .LBB2_16-.Ltmp15, $2  }
0x1a1: {  	_ =	sdelay $0x2  }
0x1a2: {  	v9 =	vmov v5;
	v5 =	vmov v12  }
.LBB2_2:
.Ltmp16:
0x1a3: {  	(pc) =	sbr.rel .LBB2_6-.Ltmp16, $3  }
0x1a4: {  	_ =	sdelay $0x1  }
0x1a5: {  	s4 =	simm.s32 $0x0  }
0x1a6: {  	s5 =	simm.s32 $0x2800;
	s3 =	simm.s32 $0x0;
	s12 =	simm.s32 $0x0  }
.LBB2_4:
.Ltmp17:
0x1a7: {  	(pc) =	sbr.rel .LBB2_6-.Ltmp17, $2  }
0x1a8: {  	_ =	sdelay $0x2  }
0x1a9: {  	s4 =	simm.s32 $0x0;
	s5 =	simm.s32 $0x2800;
	s3 =	simm.s32 $0x0  }
.LBB2_23:
0x1aa: {  	_ =	sfence.sel $0x180000  }
0x1ab: {  	[bflag:$0x0] =	sbarrier.arrive $0xFFFF  }
0x1ac: {  	_ =	strace $0x90000047  }
0x1ad: {  	s0 =	stileid.u32;
	[bflag:$0x2] =	sbarrier.arrive $0xFFFF  }
0x1ae: {  	p0 =	sne.s32 s0, $0x0;
	s0 =	rddreg [dreg:$0x4]  }
0x1af: {  	s0 =	sadd.s32 @!p0 $0x100000, s0  }
0x1b0: {  	[sflag:s0] =	ssyncadd.tile.s32 @!p0 $0x1;
	_ =	shalt  }
.Lfunc_end2:
_tile_overlayer_lowered:
.L_overlay_start_2:
0x1b1: {  	(tag) =	ssettag $0x2  }
0x1b2: {  	s0 =	rddreg [dreg:$0x0];
	s2 =	stileid.u32  }
0x1b3: {  	s1 =	rddreg [dreg:$0x1];
	p0 =	sne.s32 s2, $0x0  }
0x1b4: {  	s3 =	rddreg [dreg:$0x2];
	[bflag:$0x3] =	sbarrier.arrive $0xFFFF;
	s2 =	simm.s32 @!p0 $0x1C02  }
0x1b5: {  	[timem:s3], [sflag:s2] =	dma.local @!p0 [hbm:s0], s1  }
0x1b6: {  	s0 =	simm.s32 @!p0 $0x2  }
0x1b7: {  	_ =	swait.ge @!p0 [sflag:s0], s1  }
0x1b8: {  	s1 =	ssub.s32 @!p0 $0x0, s1;
	[sflag:s0] =	ssyncset.done @!p0 $0x0  }
0x1b9: {  	[sflag:s0] =	ssyncadd.s32 @!p0 s1  }
0x1ba: {  	[bflag:$0x3] =	sbarrier.arrive $0xFFFF  }
0x1bb: {  	_ =	shalt  }

</sc_bundles>
